<compile_context>
chip_gen: v7x
topology: tpu7x:2x2x1
jax: 0.10.2.dev20260603
libtpu: 0.0.44.dev20260713+nightly
codegen_flags: <defaults>
</compile_context>

<pallas_src>
import functools

import jax
import jax.numpy as jnp
from jax import lax
from jax.experimental import pallas as pl
from jax.experimental.pallas import tpu as pltpu
from jax.experimental.pallas import tpu_sc as plsc

BATCH = 16384
DIM = 128

_NC, _NS = 2, 16
_NW = _NC * _NS
_CH = 128
_NBUF = 6
_DEPTH = 3


@functools.lru_cache(maxsize=None)
def _make_sc_gather(nrows):
    bpw = nrows // _NW
    nch = bpw // _CH
    mesh = plsc.VectorSubcoreMesh(core_axis_name="c", subcore_axis_name="s",
                                  num_cores=_NC, num_subcores=_NS)

    @functools.partial(
        pl.kernel,
        mesh=mesh,
        out_type=(
            jax.ShapeDtypeStruct((nrows, DIM), jnp.float32),
            jax.ShapeDtypeStruct((nrows, DIM), jnp.float32),
        ),
        scratch_types=[
            pltpu.VMEM((2 * nch, _CH), jnp.int32),
            pltpu.VMEM((_NBUF * _CH, DIM), jnp.float32),
            pltpu.SemaphoreType.DMA,
            pltpu.SemaphoreType.DMA,
        ],
    )
    def gather_k(su_hbm, ti_hbm, user_hbm, item_hbm, out_u, out_i,
                 idx_v, rows_v, gsem, wsem):
        wid = lax.axis_index("s") * _NC + lax.axis_index("c")
        base = wid * bpw
        pltpu.sync_copy(user_hbm.at[pl.ds(wid * nch, nch)],
                        idx_v.at[pl.ds(0, nch)])
        pltpu.sync_copy(item_hbm.at[pl.ds(wid * nch, nch)],
                        idx_v.at[pl.ds(nch, nch)])
        nchunk = 2 * nch
        chunks = []
        for k in range(nchunk):
            table, out = ((su_hbm, out_u), (ti_hbm, out_i))[k // nch]
            off = base + (k % nch) * _CH
            chunks.append((table, out, off))

        def gather_start(k):
            table, _, _ = chunks[k]
            return pltpu.async_copy(table.at[idx_v.at[k]],
                                    rows_v.at[pl.ds((k % _NBUF) * _CH, _CH)],
                                    gsem)

        depth = min(_DEPTH, nchunk)
        writes = [None] * nchunk
        gathers = [None] * nchunk
        for k in range(depth):
            gathers[k] = gather_start(k)
        for k in range(nchunk):
            nxt = k + depth
            if nxt < nchunk:
                if nxt >= _NBUF:
                    writes[nxt - _NBUF].wait()
                gathers[nxt] = gather_start(nxt)
            gathers[k].wait()
            _, out, off = chunks[k]
            writes[k] = pltpu.async_copy(
                rows_v.at[pl.ds((k % _NBUF) * _CH, _CH)],
                out.at[pl.ds(off, _CH)], wsem)
        for k in range(max(0, nchunk - _NBUF), nchunk):
            writes[k].wait()

    return gather_k


_BB = 4096


def _tc_body(u_ref, it_ref, w1, b1, w2, b2, w3, b3, w4, b4, out_ref):
    bf = jnp.bfloat16
    x = u_ref[...].astype(bf)
    h = jnp.maximum(jnp.dot(x, w1[...],
                            preferred_element_type=jnp.float32).astype(bf)
                    + b1[...], 0)
    h = jnp.maximum(jnp.dot(h, w2[...],
                            preferred_element_type=jnp.float32).astype(bf)
                    + b2[...], 0)
    h = jnp.maximum(jnp.dot(h, w3[...],
                            preferred_element_type=jnp.float32).astype(bf)
                    + b3[...], 0)
    f = jnp.dot(h, w4[...],
                preferred_element_type=jnp.float32).astype(bf) + b4[...]
    ones = jnp.full((1, DIM), 1.0 / 3.0, dtype=bf)
    s = jax.lax.dot_general(ones, f * it_ref[...].astype(bf),
                            (((1,), (1,)), ((), ())),
                            preferred_element_type=jnp.float32)
    out_ref[...] = s[0]


def _tc_mlp_score(u, it, w1, b1, w2, b2, w3, b3, w4, b4):
    nrows = u.shape[0]
    grid = nrows // _BB
    full = lambda shape: pl.BlockSpec(shape, lambda i: (0, 0))
    return pl.pallas_call(
        _tc_body,
        grid=(grid,),
        in_specs=[
            pl.BlockSpec((_BB, DIM), lambda i: (i, 0)),
            pl.BlockSpec((_BB, DIM), lambda i: (i, 0)),
            full(w1.shape), full(b1.shape),
            full(w2.shape), full(b2.shape),
            full(w3.shape), full(b3.shape),
            full(w4.shape), full(b4.shape),
        ],
        out_specs=pl.BlockSpec((_BB,), lambda i: (i,)),
        out_shape=jax.ShapeDtypeStruct((nrows,), jnp.float32),
    )(u, it, w1, b1, w2, b2, w3, b3, w4, b4)


def kernel(user, item, su_emb, ti_emb, mlp1, mlp2, mlp3):
    mlps = (mlp1, mlp2, mlp3)
    bf = jnp.bfloat16
    w1 = jnp.concatenate([m[0][0] for m in mlps], axis=1).astype(bf)
    b1 = jnp.concatenate([m[0][1] for m in mlps])[None, :].astype(bf)
    w2 = jax.scipy.linalg.block_diag(*[m[1][0] for m in mlps]).astype(bf)
    b2 = jnp.concatenate([m[1][1] for m in mlps])[None, :].astype(bf)
    w3 = jax.scipy.linalg.block_diag(*[m[2][0] for m in mlps]).astype(bf)
    b3 = jnp.concatenate([m[2][1] for m in mlps])[None, :].astype(bf)
    w4 = jnp.concatenate([m[3][0] for m in mlps], axis=0).astype(bf)
    b4 = (mlp1[3][1] + mlp2[3][1] + mlp3[3][1])[None, :].astype(bf)

    user = user.astype(jnp.int32)
    item = item.astype(jnp.int32)
    u_rows, it_rows = _make_sc_gather(BATCH)(
        su_emb, ti_emb,
        user.reshape(BATCH // _CH, _CH), item.reshape(BATCH // _CH, _CH))
    return _tc_mlp_score(u_rows, it_rows, w1, b1, w2, b2, w3, b3, w4, b4)

# --- scband reference (transcript-rebuilt; emitter-appended) ---
"""Pipeline reference for scband-emcdrete-11261404250209 (READ-ONLY COPY).

The authoritative reference and input builder live on the scoring server;
editing this copy changes nothing except your own understanding.
"""

import jax, jax.numpy as jnp
import numpy as np

N_USERS = 100000
N_TITEMS = 100000
MF_DIM = 128
MLP_DIM = 128
HIDDEN = 64
N_HID_LAYERS = 2  # config.layers - 1 with layers=3
BATCH = 16384


def _make_mlp_params(kbase):
    dims = [(MLP_DIM, HIDDEN)] + [(HIDDEN, HIDDEN)] * N_HID_LAYERS + [(HIDDEN, MLP_DIM)]
    params = []
    for j, (fan_in, fan_out) in enumerate(dims):
        wk = jax.random.fold_in(kbase, 2 * j)
        W = jax.random.normal(wk, (fan_in, fan_out), dtype=jnp.float32) * (1.0 / np.sqrt(fan_in))
        b = jnp.zeros((fan_out,), dtype=jnp.float32)
        params.append((W, b))
    return params


def setup_inputs(seed: int = 0) -> dict:
    key = jax.random.key(seed)
    ks = jax.random.split(key, 8)
    user = jax.random.randint(ks[0], (BATCH,), 0, N_USERS, dtype=jnp.int64 if jax.config.jax_enable_x64 else jnp.int32)
    item = jax.random.randint(ks[1], (BATCH,), 0, N_TITEMS, dtype=jnp.int64 if jax.config.jax_enable_x64 else jnp.int32)
    su_emb = jax.random.normal(ks[2], (N_USERS, MF_DIM), dtype=jnp.float32) * 0.01
    ti_emb = jax.random.normal(ks[3], (N_TITEMS, MF_DIM), dtype=jnp.float32) * 0.01
    mlp1 = _make_mlp_params(ks[4])
    mlp2 = _make_mlp_params(ks[5])
    mlp3 = _make_mlp_params(ks[6])
    return {"user": user, "item": item, "su_emb": su_emb, "ti_emb": ti_emb,
            "mlp1": mlp1, "mlp2": mlp2, "mlp3": mlp3}


def _run_mlp(x, params):
    # Sequential(Linear, ReLU, [Linear, ReLU]*, Linear)
    for (W, b) in params[:-1]:
        x = jax.nn.relu(x @ W + b)
    W, b = params[-1]
    return x @ W + b


def reference(user, item, su_emb, ti_emb, mlp1, mlp2, mlp3):
    # EMCDRETE.prediction(user, item)
    u = jnp.take(su_emb, user, axis=0)                      # su_emb lookup
    fu = (1.0 / 3.0) * (_run_mlp(u, mlp1) + _run_mlp(u, mlp2) + _run_mlp(u, mlp3))  # multi_mlp
    it = jnp.take(ti_emb, item, axis=0)                     # ti_emb lookup
    score = jnp.sum(fu * it, axis=1)
    return score

if __name__ == "__main__":
    import jax
    _d = setup_inputs()
    print(jax.jit(kernel)(*tuple(_d.values())))

</pallas_src>

<mosaic_0001>
#map = affine_map<(d0, d1) -> (0, 0)>
module attributes {stable_mosaic.version = 14 : i64} {
  func.func @gather_k(%arg0: i32, %arg1: i32, %arg2: memref<100000x128xf32, #tpu.memory_space<hbm>>, %arg3: memref<100000x128xf32, #tpu.memory_space<hbm>>, %arg4: memref<128x128xi32, #tpu.memory_space<hbm>>, %arg5: memref<128x128xi32, #tpu.memory_space<hbm>>, %arg6: memref<16384x128xf32, #tpu.memory_space<hbm>>, %arg7: memref<16384x128xf32, #tpu.memory_space<hbm>>, %arg8: memref<8x128xi32, #tpu.memory_space<vmem>>, %arg9: memref<768x128xf32, #tpu.memory_space<vmem>>, %arg10: memref<!tpu.dma_semaphore, #tpu.memory_space<semaphore_mem>>, %arg11: memref<!tpu.dma_semaphore, #tpu.memory_space<semaphore_mem>>) attributes {dimension_semantics = [#tpu.dimension_semantics<core_parallel>, #tpu.dimension_semantics<subcore_parallel>], iteration_bounds = array<i64: 2, 16>, scalar_prefetch = 0 : i64, scratch_operands = 4 : i64, tpu.core_type = #tpu.core_type<sc_vector_subcore>, window_params = [{transform_indices = #map}, {transform_indices = #map}, {transform_indices = #map}, {transform_indices = #map}, {transform_indices = #map}, {transform_indices = #map}]} {
    %mul3A = arith.constant 2 : i32
    %mul3A_0 = arith.muli %arg1, %mul3A : i32
    %add3A = arith.addi %mul3A_0, %arg0 : i32
    %mul3A_1 = arith.constant 512 : i32
    %mul3A_2 = arith.muli %add3A, %mul3A_1 : i32
    %mul3A_3 = arith.constant 4 : i32
    %mul3A_4 = arith.muli %add3A, %mul3A_3 : i32
    "tpu.region"() ({
      %run_scoped3A = tpu.sem_alloc : memref<!tpu.dma_semaphore, #tpu.memory_space<semaphore_mem>>
      %dma_start3A_341 = arith.constant 0 : i32
      %dma_start3A_342 = arith.constant 0 : i32
      %dma_start3A_343 = tpu.memref_slice %arg8[%dma_start3A_341, %dma_start3A_342] : memref<8x128xi32, #tpu.memory_space<vmem>> -> memref<4x128xi32, #tpu.memory_space<vmem>>
      %dma_start3A_344 = arith.constant 0 : i32
      %dma_start3A_345 = tpu.memref_slice %arg4[%mul3A_4, %dma_start3A_344] : memref<128x128xi32, #tpu.memory_space<hbm>> -> memref<4x128xi32, #tpu.memory_space<hbm>>
      %dma_start3A_346 = arith.constant 0 : i32
      %dma_start3A_347 = arith.constant 0 : i32
      %dma_start3A_348 = tpu.memref_slice %arg8[%dma_start3A_346, %dma_start3A_347] : memref<8x128xi32, #tpu.memory_space<vmem>> -> memref<4x128xi32, #tpu.memory_space<vmem>>
      %dma_start3A_349 = arith.constant 0 : i32
      %dma_start3A_350 = tpu.memref_slice %arg4[%mul3A_4, %dma_start3A_349] : memref<128x128xi32, #tpu.memory_space<hbm>> -> memref<4x128xi32, #tpu.memory_space<hbm>>
      tpu.enqueue_dma source(%dma_start3A_350 : memref<4x128xi32, #tpu.memory_space<hbm>>) target(%dma_start3A_348 : memref<4x128xi32, #tpu.memory_space<vmem>>) target_semaphore(%run_scoped3A : memref<!tpu.dma_semaphore, #tpu.memory_space<semaphore_mem>>)
      %dma_wait3A_351 = arith.constant 0 : i32
      %dma_wait3A_352 = arith.constant 0 : i32
      %dma_wait3A_353 = tpu.memref_slice %arg8[%dma_wait3A_351, %dma_wait3A_352] : memref<8x128xi32, #tpu.memory_space<vmem>> -> memref<4x128xi32, #tpu.memory_space<vmem>>
      %dma_wait3A_354 = arith.constant 0 : i32
      %dma_wait3A_355 = tpu.memref_slice %arg4[%mul3A_4, %dma_wait3A_354] : memref<128x128xi32, #tpu.memory_space<hbm>> -> memref<4x128xi32, #tpu.memory_space<hbm>>
      %dma_wait3A_356 = arith.constant 0 : i32
      %dma_wait3A_357 = arith.constant 0 : i32
      %dma_wait3A_358 = tpu.memref_slice %arg8[%dma_wait3A_356, %dma_wait3A_357] : memref<8x128xi32, #tpu.memory_space<vmem>> -> memref<4x128xi32, #tpu.memory_space<vmem>>
      %dma_wait3A_359 = arith.constant 0 : i32
      %dma_wait3A_360 = tpu.memref_slice %arg4[%mul3A_4, %dma_wait3A_359] : memref<128x128xi32, #tpu.memory_space<hbm>> -> memref<4x128xi32, #tpu.memory_space<hbm>>
      tpu.wait_dma2 semaphore(%run_scoped3A : memref<!tpu.dma_semaphore, #tpu.memory_space<semaphore_mem>>) src(%dma_wait3A_360 : memref<4x128xi32, #tpu.memory_space<hbm>>) dst(%dma_wait3A_358 : memref<4x128xi32, #tpu.memory_space<vmem>>)
      tpu.yield
    }) : () -> ()
    %mul3A_5 = arith.constant 4 : i32
    %mul3A_6 = arith.muli %add3A, %mul3A_5 : i32
    "tpu.region"() ({
      %run_scoped3A = tpu.sem_alloc : memref<!tpu.dma_semaphore, #tpu.memory_space<semaphore_mem>>
      %dma_start3A_341 = arith.constant 4 : i32
      %dma_start3A_342 = arith.constant 0 : i32
      %dma_start3A_343 = tpu.memref_slice %arg8[%dma_start3A_341, %dma_start3A_342] : memref<8x128xi32, #tpu.memory_space<vmem>> -> memref<4x128xi32, #tpu.memory_space<vmem>>
      %dma_start3A_344 = arith.constant 0 : i32
      %dma_start3A_345 = tpu.memref_slice %arg5[%mul3A_6, %dma_start3A_344] : memref<128x128xi32, #tpu.memory_space<hbm>> -> memref<4x128xi32, #tpu.memory_space<hbm>>
      %dma_start3A_346 = arith.constant 4 : i32
      %dma_start3A_347 = arith.constant 0 : i32
      %dma_start3A_348 = tpu.memref_slice %arg8[%dma_start3A_346, %dma_start3A_347] : memref<8x128xi32, #tpu.memory_space<vmem>> -> memref<4x128xi32, #tpu.memory_space<vmem>>
      %dma_start3A_349 = arith.constant 0 : i32
      %dma_start3A_350 = tpu.memref_slice %arg5[%mul3A_6, %dma_start3A_349] : memref<128x128xi32, #tpu.memory_space<hbm>> -> memref<4x128xi32, #tpu.memory_space<hbm>>
      tpu.enqueue_dma source(%dma_start3A_350 : memref<4x128xi32, #tpu.memory_space<hbm>>) target(%dma_start3A_348 : memref<4x128xi32, #tpu.memory_space<vmem>>) target_semaphore(%run_scoped3A : memref<!tpu.dma_semaphore, #tpu.memory_space<semaphore_mem>>)
      %dma_wait3A_351 = arith.constant 4 : i32
      %dma_wait3A_352 = arith.constant 0 : i32
      %dma_wait3A_353 = tpu.memref_slice %arg8[%dma_wait3A_351, %dma_wait3A_352] : memref<8x128xi32, #tpu.memory_space<vmem>> -> memref<4x128xi32, #tpu.memory_space<vmem>>
      %dma_wait3A_354 = arith.constant 0 : i32
      %dma_wait3A_355 = tpu.memref_slice %arg5[%mul3A_6, %dma_wait3A_354] : memref<128x128xi32, #tpu.memory_space<hbm>> -> memref<4x128xi32, #tpu.memory_space<hbm>>
      %dma_wait3A_356 = arith.constant 4 : i32
      %dma_wait3A_357 = arith.constant 0 : i32
      %dma_wait3A_358 = tpu.memref_slice %arg8[%dma_wait3A_356, %dma_wait3A_357] : memref<8x128xi32, #tpu.memory_space<vmem>> -> memref<4x128xi32, #tpu.memory_space<vmem>>
      %dma_wait3A_359 = arith.constant 0 : i32
      %dma_wait3A_360 = tpu.memref_slice %arg5[%mul3A_6, %dma_wait3A_359] : memref<128x128xi32, #tpu.memory_space<hbm>> -> memref<4x128xi32, #tpu.memory_space<hbm>>
      tpu.wait_dma2 semaphore(%run_scoped3A : memref<!tpu.dma_semaphore, #tpu.memory_space<semaphore_mem>>) src(%dma_wait3A_360 : memref<4x128xi32, #tpu.memory_space<hbm>>) dst(%dma_wait3A_358 : memref<4x128xi32, #tpu.memory_space<vmem>>)
      tpu.yield
    }) : () -> ()
    %add3A_7 = arith.constant 0 : i32
    %add3A_8 = arith.addi %mul3A_2, %add3A_7 : i32
    %add3A_9 = arith.constant 128 : i32
    %add3A_10 = arith.addi %mul3A_2, %add3A_9 : i32
    %add3A_11 = arith.constant 256 : i32
    %add3A_12 = arith.addi %mul3A_2, %add3A_11 : i32
    %add3A_13 = arith.constant 384 : i32
    %add3A_14 = arith.addi %mul3A_2, %add3A_13 : i32
    %add3A_15 = arith.constant 0 : i32
    %add3A_16 = arith.addi %mul3A_2, %add3A_15 : i32
    %add3A_17 = arith.constant 128 : i32
    %add3A_18 = arith.addi %mul3A_2, %add3A_17 : i32
    %add3A_19 = arith.constant 256 : i32
    %add3A_20 = arith.addi %mul3A_2, %add3A_19 : i32
    %add3A_21 = arith.constant 384 : i32
    %add3A_22 = arith.addi %mul3A_2, %add3A_21 : i32
    %dma_start3A = arith.constant 0 : i32
    %dma_start3A_23 = arith.constant 0 : i32
    %dma_start3A_24 = arith.constant 0 : i32
    %dma_start3A_25 = tpu.memref_slice %arg9[%dma_start3A_23, %dma_start3A_24] : memref<768x128xf32, #tpu.memory_space<vmem>> -> memref<128x128xf32, #tpu.memory_space<vmem>>
    %dma_start3A_26 = arith.constant 0 : i32
    %dma_start3A_27 = tpu.memref_slice %arg8[%dma_start3A, %dma_start3A_26] : memref<8x128xi32, #tpu.memory_space<vmem>> -> memref<1x128xi32, #tpu.memory_space<vmem>>
    %dma_start3A_28 = tpu.memref_squeeze %dma_start3A_27 : memref<1x128xi32, #tpu.memory_space<vmem>> -> memref<128xi32, #tpu.memory_space<vmem>>
    %dma_start3A_29 = arith.constant 0 : i32
    %dma_start3A_30 = arith.constant 0 : i32
    %dma_start3A_31 = tpu.memref_slice %arg2[%dma_start3A_29, %dma_start3A_30] : memref<100000x128xf32, #tpu.memory_space<hbm>> -> memref<100000x128xf32, #tpu.memory_space<hbm>>
    tpu.enqueue_indirect_dma source(%dma_start3A_31 : memref<100000x128xf32, #tpu.memory_space<hbm>>) target(%dma_start3A_25 : memref<128x128xf32, #tpu.memory_space<vmem>>) offsets(%dma_start3A_28 : memref<128xi32, #tpu.memory_space<vmem>>) semaphore(%arg10 : memref<!tpu.dma_semaphore, #tpu.memory_space<semaphore_mem>>)
    %dma_start3A_32 = arith.constant 1 : i32
    %dma_start3A_33 = arith.constant 128 : i32
    %dma_start3A_34 = arith.constant 0 : i32
    %dma_start3A_35 = tpu.memref_slice %arg9[%dma_start3A_33, %dma_start3A_34] : memref<768x128xf32, #tpu.memory_space<vmem>> -> memref<128x128xf32, #tpu.memory_space<vmem>>
    %dma_start3A_36 = arith.constant 0 : i32
    %dma_start3A_37 = tpu.memref_slice %arg8[%dma_start3A_32, %dma_start3A_36] : memref<8x128xi32, #tpu.memory_space<vmem>> -> memref<1x128xi32, #tpu.memory_space<vmem>>
    %dma_start3A_38 = tpu.memref_squeeze %dma_start3A_37 : memref<1x128xi32, #tpu.memory_space<vmem>> -> memref<128xi32, #tpu.memory_space<vmem>>
    %dma_start3A_39 = arith.constant 0 : i32
    %dma_start3A_40 = arith.constant 0 : i32
    %dma_start3A_41 = tpu.memref_slice %arg2[%dma_start3A_39, %dma_start3A_40] : memref<100000x128xf32, #tpu.memory_space<hbm>> -> memref<100000x128xf32, #tpu.memory_space<hbm>>
    tpu.enqueue_indirect_dma source(%dma_start3A_41 : memref<100000x128xf32, #tpu.memory_space<hbm>>) target(%dma_start3A_35 : memref<128x128xf32, #tpu.memory_space<vmem>>) offsets(%dma_start3A_38 : memref<128xi32, #tpu.memory_space<vmem>>) semaphore(%arg10 : memref<!tpu.dma_semaphore, #tpu.memory_space<semaphore_mem>>)
    %dma_start3A_42 = arith.constant 2 : i32
    %dma_start3A_43 = arith.constant 256 : i32
    %dma_start3A_44 = arith.constant 0 : i32
    %dma_start3A_45 = tpu.memref_slice %arg9[%dma_start3A_43, %dma_start3A_44] : memref<768x128xf32, #tpu.memory_space<vmem>> -> memref<128x128xf32, #tpu.memory_space<vmem>>
    %dma_start3A_46 = arith.constant 0 : i32
    %dma_start3A_47 = tpu.memref_slice %arg8[%dma_start3A_42, %dma_start3A_46] : memref<8x128xi32, #tpu.memory_space<vmem>> -> memref<1x128xi32, #tpu.memory_space<vmem>>
    %dma_start3A_48 = tpu.memref_squeeze %dma_start3A_47 : memref<1x128xi32, #tpu.memory_space<vmem>> -> memref<128xi32, #tpu.memory_space<vmem>>
    %dma_start3A_49 = arith.constant 0 : i32
    %dma_start3A_50 = arith.constant 0 : i32
    %dma_start3A_51 = tpu.memref_slice %arg2[%dma_start3A_49, %dma_start3A_50] : memref<100000x128xf32, #tpu.memory_space<hbm>> -> memref<100000x128xf32, #tpu.memory_space<hbm>>
    tpu.enqueue_indirect_dma source(%dma_start3A_51 : memref<100000x128xf32, #tpu.memory_space<hbm>>) target(%dma_start3A_45 : memref<128x128xf32, #tpu.memory_space<vmem>>) offsets(%dma_start3A_48 : memref<128xi32, #tpu.memory_space<vmem>>) semaphore(%arg10 : memref<!tpu.dma_semaphore, #tpu.memory_space<semaphore_mem>>)
    %dma_start3A_52 = arith.constant 3 : i32
    %dma_start3A_53 = arith.constant 384 : i32
    %dma_start3A_54 = arith.constant 0 : i32
    %dma_start3A_55 = tpu.memref_slice %arg9[%dma_start3A_53, %dma_start3A_54] : memref<768x128xf32, #tpu.memory_space<vmem>> -> memref<128x128xf32, #tpu.memory_space<vmem>>
    %dma_start3A_56 = arith.constant 0 : i32
    %dma_start3A_57 = tpu.memref_slice %arg8[%dma_start3A_52, %dma_start3A_56] : memref<8x128xi32, #tpu.memory_space<vmem>> -> memref<1x128xi32, #tpu.memory_space<vmem>>
    %dma_start3A_58 = tpu.memref_squeeze %dma_start3A_57 : memref<1x128xi32, #tpu.memory_space<vmem>> -> memref<128xi32, #tpu.memory_space<vmem>>
    %dma_start3A_59 = arith.constant 0 : i32
    %dma_start3A_60 = arith.constant 0 : i32
    %dma_start3A_61 = tpu.memref_slice %arg2[%dma_start3A_59, %dma_start3A_60] : memref<100000x128xf32, #tpu.memory_space<hbm>> -> memref<100000x128xf32, #tpu.memory_space<hbm>>
    tpu.enqueue_indirect_dma source(%dma_start3A_61 : memref<100000x128xf32, #tpu.memory_space<hbm>>) target(%dma_start3A_55 : memref<128x128xf32, #tpu.memory_space<vmem>>) offsets(%dma_start3A_58 : memref<128xi32, #tpu.memory_space<vmem>>) semaphore(%arg10 : memref<!tpu.dma_semaphore, #tpu.memory_space<semaphore_mem>>)
    %dma_wait3A = arith.constant 0 : i32
    %dma_wait3A_62 = arith.constant 0 : i32
    %dma_wait3A_63 = arith.constant 0 : i32
    %dma_wait3A_64 = tpu.memref_slice %arg9[%dma_wait3A_62, %dma_wait3A_63] : memref<768x128xf32, #tpu.memory_space<vmem>> -> memref<128x128xf32, #tpu.memory_space<vmem>>
    %dma_wait3A_65 = arith.constant 0 : i32
    %dma_wait3A_66 = tpu.memref_slice %arg8[%dma_wait3A, %dma_wait3A_65] : memref<8x128xi32, #tpu.memory_space<vmem>> -> memref<1x128xi32, #tpu.memory_space<vmem>>
    %dma_wait3A_67 = tpu.memref_squeeze %dma_wait3A_66 : memref<1x128xi32, #tpu.memory_space<vmem>> -> memref<128xi32, #tpu.memory_space<vmem>>
    %dma_wait3A_68 = arith.constant 0 : i32
    %dma_wait3A_69 = arith.constant 0 : i32
    %dma_wait3A_70 = tpu.memref_slice %arg2[%dma_wait3A_68, %dma_wait3A_69] : memref<100000x128xf32, #tpu.memory_space<hbm>> -> memref<100000x128xf32, #tpu.memory_space<hbm>>
    tpu.wait_indirect_dma semaphore(%arg10 : memref<!tpu.dma_semaphore, #tpu.memory_space<semaphore_mem>>) src(%dma_wait3A_70 : memref<100000x128xf32, #tpu.memory_space<hbm>>) dst(%dma_wait3A_64 : memref<128x128xf32, #tpu.memory_space<vmem>>)
    %dma_start3A_71 = arith.constant 0 : i32
    %dma_start3A_72 = arith.constant 0 : i32
    %dma_start3A_73 = tpu.memref_slice %arg9[%dma_start3A_71, %dma_start3A_72] : memref<768x128xf32, #tpu.memory_space<vmem>> -> memref<128x128xf32, #tpu.memory_space<vmem>>
    %dma_start3A_74 = arith.constant 0 : i32
    %dma_start3A_75 = tpu.memref_slice %arg6[%add3A_8, %dma_start3A_74] : memref<16384x128xf32, #tpu.memory_space<hbm>> -> memref<128x128xf32, #tpu.memory_space<hbm>>
    %dma_start3A_76 = arith.constant 0 : i32
    %dma_start3A_77 = tpu.memref_slice %arg6[%add3A_8, %dma_start3A_76] : memref<16384x128xf32, #tpu.memory_space<hbm>> -> memref<128x128xf32, #tpu.memory_space<hbm>>
    %dma_start3A_78 = arith.constant 0 : i32
    %dma_start3A_79 = arith.constant 0 : i32
    %dma_start3A_80 = tpu.memref_slice %arg9[%dma_start3A_78, %dma_start3A_79] : memref<768x128xf32, #tpu.memory_space<vmem>> -> memref<128x128xf32, #tpu.memory_space<vmem>>
    tpu.enqueue_dma source(%dma_start3A_80 : memref<128x128xf32, #tpu.memory_space<vmem>>) target(%dma_start3A_77 : memref<128x128xf32, #tpu.memory_space<hbm>>) target_semaphore(%arg11 : memref<!tpu.dma_semaphore, #tpu.memory_space<semaphore_mem>>)
    %dma_start3A_81 = arith.constant 4 : i32
    %dma_start3A_82 = arith.constant 512 : i32
    %dma_start3A_83 = arith.constant 0 : i32
    %dma_start3A_84 = tpu.memref_slice %arg9[%dma_start3A_82, %dma_start3A_83] : memref<768x128xf32, #tpu.memory_space<vmem>> -> memref<128x128xf32, #tpu.memory_space<vmem>>
    %dma_start3A_85 = arith.constant 0 : i32
    %dma_start3A_86 = tpu.memref_slice %arg8[%dma_start3A_81, %dma_start3A_85] : memref<8x128xi32, #tpu.memory_space<vmem>> -> memref<1x128xi32, #tpu.memory_space<vmem>>
    %dma_start3A_87 = tpu.memref_squeeze %dma_start3A_86 : memref<1x128xi32, #tpu.memory_space<vmem>> -> memref<128xi32, #tpu.memory_space<vmem>>
    %dma_start3A_88 = arith.constant 0 : i32
    %dma_start3A_89 = arith.constant 0 : i32
    %dma_start3A_90 = tpu.memref_slice %arg3[%dma_start3A_88, %dma_start3A_89] : memref<100000x128xf32, #tpu.memory_space<hbm>> -> memref<100000x128xf32, #tpu.memory_space<hbm>>
    tpu.enqueue_indirect_dma source(%dma_start3A_90 : memref<100000x128xf32, #tpu.memory_space<hbm>>) target(%dma_start3A_84 : memref<128x128xf32, #tpu.memory_space<vmem>>) offsets(%dma_start3A_87 : memref<128xi32, #tpu.memory_space<vmem>>) semaphore(%arg10 : memref<!tpu.dma_semaphore, #tpu.memory_space<semaphore_mem>>)
    %dma_wait3A_91 = arith.constant 1 : i32
    %dma_wait3A_92 = arith.constant 128 : i32
    %dma_wait3A_93 = arith.constant 0 : i32
    %dma_wait3A_94 = tpu.memref_slice %arg9[%dma_wait3A_92, %dma_wait3A_93] : memref<768x128xf32, #tpu.memory_space<vmem>> -> memref<128x128xf32, #tpu.memory_space<vmem>>
    %dma_wait3A_95 = arith.constant 0 : i32
    %dma_wait3A_96 = tpu.memref_slice %arg8[%dma_wait3A_91, %dma_wait3A_95] : memref<8x128xi32, #tpu.memory_space<vmem>> -> memref<1x128xi32, #tpu.memory_space<vmem>>
    %dma_wait3A_97 = tpu.memref_squeeze %dma_wait3A_96 : memref<1x128xi32, #tpu.memory_space<vmem>> -> memref<128xi32, #tpu.memory_space<vmem>>
    %dma_wait3A_98 = arith.constant 0 : i32
    %dma_wait3A_99 = arith.constant 0 : i32
    %dma_wait3A_100 = tpu.memref_slice %arg2[%dma_wait3A_98, %dma_wait3A_99] : memref<100000x128xf32, #tpu.memory_space<hbm>> -> memref<100000x128xf32, #tpu.memory_space<hbm>>
    tpu.wait_indirect_dma semaphore(%arg10 : memref<!tpu.dma_semaphore, #tpu.memory_space<semaphore_mem>>) src(%dma_wait3A_100 : memref<100000x128xf32, #tpu.memory_space<hbm>>) dst(%dma_wait3A_94 : memref<128x128xf32, #tpu.memory_space<vmem>>)
    %dma_start3A_101 = arith.constant 128 : i32
    %dma_start3A_102 = arith.constant 0 : i32
    %dma_start3A_103 = tpu.memref_slice %arg9[%dma_start3A_101, %dma_start3A_102] : memref<768x128xf32, #tpu.memory_space<vmem>> -> memref<128x128xf32, #tpu.memory_space<vmem>>
    %dma_start3A_104 = arith.constant 0 : i32
    %dma_start3A_105 = tpu.memref_slice %arg6[%add3A_10, %dma_start3A_104] : memref<16384x128xf32, #tpu.memory_space<hbm>> -> memref<128x128xf32, #tpu.memory_space<hbm>>
    %dma_start3A_106 = arith.constant 0 : i32
    %dma_start3A_107 = tpu.memref_slice %arg6[%add3A_10, %dma_start3A_106] : memref<16384x128xf32, #tpu.memory_space<hbm>> -> memref<128x128xf32, #tpu.memory_space<hbm>>
    %dma_start3A_108 = arith.constant 128 : i32
    %dma_start3A_109 = arith.constant 0 : i32
    %dma_start3A_110 = tpu.memref_slice %arg9[%dma_start3A_108, %dma_start3A_109] : memref<768x128xf32, #tpu.memory_space<vmem>> -> memref<128x128xf32, #tpu.memory_space<vmem>>
    tpu.enqueue_dma source(%dma_start3A_110 : memref<128x128xf32, #tpu.memory_space<vmem>>) target(%dma_start3A_107 : memref<128x128xf32, #tpu.memory_space<hbm>>) target_semaphore(%arg11 : memref<!tpu.dma_semaphore, #tpu.memory_space<semaphore_mem>>)
    %dma_start3A_111 = arith.constant 5 : i32
    %dma_start3A_112 = arith.constant 640 : i32
    %dma_start3A_113 = arith.constant 0 : i32
    %dma_start3A_114 = tpu.memref_slice %arg9[%dma_start3A_112, %dma_start3A_113] : memref<768x128xf32, #tpu.memory_space<vmem>> -> memref<128x128xf32, #tpu.memory_space<vmem>>
    %dma_start3A_115 = arith.constant 0 : i32
    %dma_start3A_116 = tpu.memref_slice %arg8[%dma_start3A_111, %dma_start3A_115] : memref<8x128xi32, #tpu.memory_space<vmem>> -> memref<1x128xi32, #tpu.memory_space<vmem>>
    %dma_start3A_117 = tpu.memref_squeeze %dma_start3A_116 : memref<1x128xi32, #tpu.memory_space<vmem>> -> memref<128xi32, #tpu.memory_space<vmem>>
    %dma_start3A_118 = arith.constant 0 : i32
    %dma_start3A_119 = arith.constant 0 : i32
    %dma_start3A_120 = tpu.memref_slice %arg3[%dma_start3A_118, %dma_start3A_119] : memref<100000x128xf32, #tpu.memory_space<hbm>> -> memref<100000x128xf32, #tpu.memory_space<hbm>>
    tpu.enqueue_indirect_dma source(%dma_start3A_120 : memref<100000x128xf32, #tpu.memory_space<hbm>>) target(%dma_start3A_114 : memref<128x128xf32, #tpu.memory_space<vmem>>) offsets(%dma_start3A_117 : memref<128xi32, #tpu.memory_space<vmem>>) semaphore(%arg10 : memref<!tpu.dma_semaphore, #tpu.memory_space<semaphore_mem>>)
    %dma_wait3A_121 = arith.constant 2 : i32
    %dma_wait3A_122 = arith.constant 256 : i32
    %dma_wait3A_123 = arith.constant 0 : i32
    %dma_wait3A_124 = tpu.memref_slice %arg9[%dma_wait3A_122, %dma_wait3A_123] : memref<768x128xf32, #tpu.memory_space<vmem>> -> memref<128x128xf32, #tpu.memory_space<vmem>>
    %dma_wait3A_125 = arith.constant 0 : i32
    %dma_wait3A_126 = tpu.memref_slice %arg8[%dma_wait3A_121, %dma_wait3A_125] : memref<8x128xi32, #tpu.memory_space<vmem>> -> memref<1x128xi32, #tpu.memory_space<vmem>>
    %dma_wait3A_127 = tpu.memref_squeeze %dma_wait3A_126 : memref<1x128xi32, #tpu.memory_space<vmem>> -> memref<128xi32, #tpu.memory_space<vmem>>
    %dma_wait3A_128 = arith.constant 0 : i32
    %dma_wait3A_129 = arith.constant 0 : i32
    %dma_wait3A_130 = tpu.memref_slice %arg2[%dma_wait3A_128, %dma_wait3A_129] : memref<100000x128xf32, #tpu.memory_space<hbm>> -> memref<100000x128xf32, #tpu.memory_space<hbm>>
    tpu.wait_indirect_dma semaphore(%arg10 : memref<!tpu.dma_semaphore, #tpu.memory_space<semaphore_mem>>) src(%dma_wait3A_130 : memref<100000x128xf32, #tpu.memory_space<hbm>>) dst(%dma_wait3A_124 : memref<128x128xf32, #tpu.memory_space<vmem>>)
    %dma_start3A_131 = arith.constant 256 : i32
    %dma_start3A_132 = arith.constant 0 : i32
    %dma_start3A_133 = tpu.memref_slice %arg9[%dma_start3A_131, %dma_start3A_132] : memref<768x128xf32, #tpu.memory_space<vmem>> -> memref<128x128xf32, #tpu.memory_space<vmem>>
    %dma_start3A_134 = arith.constant 0 : i32
    %dma_start3A_135 = tpu.memref_slice %arg6[%add3A_12, %dma_start3A_134] : memref<16384x128xf32, #tpu.memory_space<hbm>> -> memref<128x128xf32, #tpu.memory_space<hbm>>
    %dma_start3A_136 = arith.constant 0 : i32
    %dma_start3A_137 = tpu.memref_slice %arg6[%add3A_12, %dma_start3A_136] : memref<16384x128xf32, #tpu.memory_space<hbm>> -> memref<128x128xf32, #tpu.memory_space<hbm>>
    %dma_start3A_138 = arith.constant 256 : i32
    %dma_start3A_139 = arith.constant 0 : i32
    %dma_start3A_140 = tpu.memref_slice %arg9[%dma_start3A_138, %dma_start3A_139] : memref<768x128xf32, #tpu.memory_space<vmem>> -> memref<128x128xf32, #tpu.memory_space<vmem>>
    tpu.enqueue_dma source(%dma_start3A_140 : memref<128x128xf32, #tpu.memory_space<vmem>>) target(%dma_start3A_137 : memref<128x128xf32, #tpu.memory_space<hbm>>) target_semaphore(%arg11 : memref<!tpu.dma_semaphore, #tpu.memory_space<semaphore_mem>>)
    %dma_wait3A_141 = arith.constant 0 : i32
    %dma_wait3A_142 = arith.constant 0 : i32
    %dma_wait3A_143 = tpu.memref_slice %arg9[%dma_wait3A_141, %dma_wait3A_142] : memref<768x128xf32, #tpu.memory_space<vmem>> -> memref<128x128xf32, #tpu.memory_space<vmem>>
    %dma_wait3A_144 = arith.constant 0 : i32
    %dma_wait3A_145 = tpu.memref_slice %arg6[%add3A_8, %dma_wait3A_144] : memref<16384x128xf32, #tpu.memory_space<hbm>> -> memref<128x128xf32, #tpu.memory_space<hbm>>
    %dma_wait3A_146 = arith.constant 0 : i32
    %dma_wait3A_147 = tpu.memref_slice %arg6[%add3A_8, %dma_wait3A_146] : memref<16384x128xf32, #tpu.memory_space<hbm>> -> memref<128x128xf32, #tpu.memory_space<hbm>>
    %dma_wait3A_148 = arith.constant 0 : i32
    %dma_wait3A_149 = arith.constant 0 : i32
    %dma_wait3A_150 = tpu.memref_slice %arg9[%dma_wait3A_148, %dma_wait3A_149] : memref<768x128xf32, #tpu.memory_space<vmem>> -> memref<128x128xf32, #tpu.memory_space<vmem>>
    tpu.wait_dma2 semaphore(%arg11 : memref<!tpu.dma_semaphore, #tpu.memory_space<semaphore_mem>>) src(%dma_wait3A_150 : memref<128x128xf32, #tpu.memory_space<vmem>>) dst(%dma_wait3A_147 : memref<128x128xf32, #tpu.memory_space<hbm>>)
    %dma_start3A_151 = arith.constant 6 : i32
    %dma_start3A_152 = arith.constant 0 : i32
    %dma_start3A_153 = arith.constant 0 : i32
    %dma_start3A_154 = tpu.memref_slice %arg9[%dma_start3A_152, %dma_start3A_153] : memref<768x128xf32, #tpu.memory_space<vmem>> -> memref<128x128xf32, #tpu.memory_space<vmem>>
    %dma_start3A_155 = arith.constant 0 : i32
    %dma_start3A_156 = tpu.memref_slice %arg8[%dma_start3A_151, %dma_start3A_155] : memref<8x128xi32, #tpu.memory_space<vmem>> -> memref<1x128xi32, #tpu.memory_space<vmem>>
    %dma_start3A_157 = tpu.memref_squeeze %dma_start3A_156 : memref<1x128xi32, #tpu.memory_space<vmem>> -> memref<128xi32, #tpu.memory_space<vmem>>
    %dma_start3A_158 = arith.constant 0 : i32
    %dma_start3A_159 = arith.constant 0 : i32
    %dma_start3A_160 = tpu.memref_slice %arg3[%dma_start3A_158, %dma_start3A_159] : memref<100000x128xf32, #tpu.memory_space<hbm>> -> memref<100000x128xf32, #tpu.memory_space<hbm>>
    tpu.enqueue_indirect_dma source(%dma_start3A_160 : memref<100000x128xf32, #tpu.memory_space<hbm>>) target(%dma_start3A_154 : memref<128x128xf32, #tpu.memory_space<vmem>>) offsets(%dma_start3A_157 : memref<128xi32, #tpu.memory_space<vmem>>) semaphore(%arg10 : memref<!tpu.dma_semaphore, #tpu.memory_space<semaphore_mem>>)
    %dma_wait3A_161 = arith.constant 3 : i32
    %dma_wait3A_162 = arith.constant 384 : i32
    %dma_wait3A_163 = arith.constant 0 : i32
    %dma_wait3A_164 = tpu.memref_slice %arg9[%dma_wait3A_162, %dma_wait3A_163] : memref<768x128xf32, #tpu.memory_space<vmem>> -> memref<128x128xf32, #tpu.memory_space<vmem>>
    %dma_wait3A_165 = arith.constant 0 : i32
    %dma_wait3A_166 = tpu.memref_slice %arg8[%dma_wait3A_161, %dma_wait3A_165] : memref<8x128xi32, #tpu.memory_space<vmem>> -> memref<1x128xi32, #tpu.memory_space<vmem>>
    %dma_wait3A_167 = tpu.memref_squeeze %dma_wait3A_166 : memref<1x128xi32, #tpu.memory_space<vmem>> -> memref<128xi32, #tpu.memory_space<vmem>>
    %dma_wait3A_168 = arith.constant 0 : i32
    %dma_wait3A_169 = arith.constant 0 : i32
    %dma_wait3A_170 = tpu.memref_slice %arg2[%dma_wait3A_168, %dma_wait3A_169] : memref<100000x128xf32, #tpu.memory_space<hbm>> -> memref<100000x128xf32, #tpu.memory_space<hbm>>
    tpu.wait_indirect_dma semaphore(%arg10 : memref<!tpu.dma_semaphore, #tpu.memory_space<semaphore_mem>>) src(%dma_wait3A_170 : memref<100000x128xf32, #tpu.memory_space<hbm>>) dst(%dma_wait3A_164 : memref<128x128xf32, #tpu.memory_space<vmem>>)
    %dma_start3A_171 = arith.constant 384 : i32
    %dma_start3A_172 = arith.constant 0 : i32
    %dma_start3A_173 = tpu.memref_slice %arg9[%dma_start3A_171, %dma_start3A_172] : memref<768x128xf32, #tpu.memory_space<vmem>> -> memref<128x128xf32, #tpu.memory_space<vmem>>
    %dma_start3A_174 = arith.constant 0 : i32
    %dma_start3A_175 = tpu.memref_slice %arg6[%add3A_14, %dma_start3A_174] : memref<16384x128xf32, #tpu.memory_space<hbm>> -> memref<128x128xf32, #tpu.memory_space<hbm>>
    %dma_start3A_176 = arith.constant 0 : i32
    %dma_start3A_177 = tpu.memref_slice %arg6[%add3A_14, %dma_start3A_176] : memref<16384x128xf32, #tpu.memory_space<hbm>> -> memref<128x128xf32, #tpu.memory_space<hbm>>
    %dma_start3A_178 = arith.constant 384 : i32
    %dma_start3A_179 = arith.constant 0 : i32
    %dma_start3A_180 = tpu.memref_slice %arg9[%dma_start3A_178, %dma_start3A_179] : memref<768x128xf32, #tpu.memory_space<vmem>> -> memref<128x128xf32, #tpu.memory_space<vmem>>
    tpu.enqueue_dma source(%dma_start3A_180 : memref<128x128xf32, #tpu.memory_space<vmem>>) target(%dma_start3A_177 : memref<128x128xf32, #tpu.memory_space<hbm>>) target_semaphore(%arg11 : memref<!tpu.dma_semaphore, #tpu.memory_space<semaphore_mem>>)
    %dma_wait3A_181 = arith.constant 128 : i32
    %dma_wait3A_182 = arith.constant 0 : i32
    %dma_wait3A_183 = tpu.memref_slice %arg9[%dma_wait3A_181, %dma_wait3A_182] : memref<768x128xf32, #tpu.memory_space<vmem>> -> memref<128x128xf32, #tpu.memory_space<vmem>>
    %dma_wait3A_184 = arith.constant 0 : i32
    %dma_wait3A_185 = tpu.memref_slice %arg6[%add3A_10, %dma_wait3A_184] : memref<16384x128xf32, #tpu.memory_space<hbm>> -> memref<128x128xf32, #tpu.memory_space<hbm>>
    %dma_wait3A_186 = arith.constant 0 : i32
    %dma_wait3A_187 = tpu.memref_slice %arg6[%add3A_10, %dma_wait3A_186] : memref<16384x128xf32, #tpu.memory_space<hbm>> -> memref<128x128xf32, #tpu.memory_space<hbm>>
    %dma_wait3A_188 = arith.constant 128 : i32
    %dma_wait3A_189 = arith.constant 0 : i32
    %dma_wait3A_190 = tpu.memref_slice %arg9[%dma_wait3A_188, %dma_wait3A_189] : memref<768x128xf32, #tpu.memory_space<vmem>> -> memref<128x128xf32, #tpu.memory_space<vmem>>
    tpu.wait_dma2 semaphore(%arg11 : memref<!tpu.dma_semaphore, #tpu.memory_space<semaphore_mem>>) src(%dma_wait3A_190 : memref<128x128xf32, #tpu.memory_space<vmem>>) dst(%dma_wait3A_187 : memref<128x128xf32, #tpu.memory_space<hbm>>)
    %dma_start3A_191 = arith.constant 7 : i32
    %dma_start3A_192 = arith.constant 128 : i32
    %dma_start3A_193 = arith.constant 0 : i32
    %dma_start3A_194 = tpu.memref_slice %arg9[%dma_start3A_192, %dma_start3A_193] : memref<768x128xf32, #tpu.memory_space<vmem>> -> memref<128x128xf32, #tpu.memory_space<vmem>>
    %dma_start3A_195 = arith.constant 0 : i32
    %dma_start3A_196 = tpu.memref_slice %arg8[%dma_start3A_191, %dma_start3A_195] : memref<8x128xi32, #tpu.memory_space<vmem>> -> memref<1x128xi32, #tpu.memory_space<vmem>>
    %dma_start3A_197 = tpu.memref_squeeze %dma_start3A_196 : memref<1x128xi32, #tpu.memory_space<vmem>> -> memref<128xi32, #tpu.memory_space<vmem>>
    %dma_start3A_198 = arith.constant 0 : i32
    %dma_start3A_199 = arith.constant 0 : i32
    %dma_start3A_200 = tpu.memref_slice %arg3[%dma_start3A_198, %dma_start3A_199] : memref<100000x128xf32, #tpu.memory_space<hbm>> -> memref<100000x128xf32, #tpu.memory_space<hbm>>
    tpu.enqueue_indirect_dma source(%dma_start3A_200 : memref<100000x128xf32, #tpu.memory_space<hbm>>) target(%dma_start3A_194 : memref<128x128xf32, #tpu.memory_space<vmem>>) offsets(%dma_start3A_197 : memref<128xi32, #tpu.memory_space<vmem>>) semaphore(%arg10 : memref<!tpu.dma_semaphore, #tpu.memory_space<semaphore_mem>>)
    %dma_wait3A_201 = arith.constant 4 : i32
    %dma_wait3A_202 = arith.constant 512 : i32
    %dma_wait3A_203 = arith.constant 0 : i32
    %dma_wait3A_204 = tpu.memref_slice %arg9[%dma_wait3A_202, %dma_wait3A_203] : memref<768x128xf32, #tpu.memory_space<vmem>> -> memref<128x128xf32, #tpu.memory_space<vmem>>
    %dma_wait3A_205 = arith.constant 0 : i32
    %dma_wait3A_206 = tpu.memref_slice %arg8[%dma_wait3A_201, %dma_wait3A_205] : memref<8x128xi32, #tpu.memory_space<vmem>> -> memref<1x128xi32, #tpu.memory_space<vmem>>
    %dma_wait3A_207 = tpu.memref_squeeze %dma_wait3A_206 : memref<1x128xi32, #tpu.memory_space<vmem>> -> memref<128xi32, #tpu.memory_space<vmem>>
    %dma_wait3A_208 = arith.constant 0 : i32
    %dma_wait3A_209 = arith.constant 0 : i32
    %dma_wait3A_210 = tpu.memref_slice %arg3[%dma_wait3A_208, %dma_wait3A_209] : memref<100000x128xf32, #tpu.memory_space<hbm>> -> memref<100000x128xf32, #tpu.memory_space<hbm>>
    tpu.wait_indirect_dma semaphore(%arg10 : memref<!tpu.dma_semaphore, #tpu.memory_space<semaphore_mem>>) src(%dma_wait3A_210 : memref<100000x128xf32, #tpu.memory_space<hbm>>) dst(%dma_wait3A_204 : memref<128x128xf32, #tpu.memory_space<vmem>>)
    %dma_start3A_211 = arith.constant 512 : i32
    %dma_start3A_212 = arith.constant 0 : i32
    %dma_start3A_213 = tpu.memref_slice %arg9[%dma_start3A_211, %dma_start3A_212] : memref<768x128xf32, #tpu.memory_space<vmem>> -> memref<128x128xf32, #tpu.memory_space<vmem>>
    %dma_start3A_214 = arith.constant 0 : i32
    %dma_start3A_215 = tpu.memref_slice %arg7[%add3A_16, %dma_start3A_214] : memref<16384x128xf32, #tpu.memory_space<hbm>> -> memref<128x128xf32, #tpu.memory_space<hbm>>
    %dma_start3A_216 = arith.constant 0 : i32
    %dma_start3A_217 = tpu.memref_slice %arg7[%add3A_16, %dma_start3A_216] : memref<16384x128xf32, #tpu.memory_space<hbm>> -> memref<128x128xf32, #tpu.memory_space<hbm>>
    %dma_start3A_218 = arith.constant 512 : i32
    %dma_start3A_219 = arith.constant 0 : i32
    %dma_start3A_220 = tpu.memref_slice %arg9[%dma_start3A_218, %dma_start3A_219] : memref<768x128xf32, #tpu.memory_space<vmem>> -> memref<128x128xf32, #tpu.memory_space<vmem>>
    tpu.enqueue_dma source(%dma_start3A_220 : memref<128x128xf32, #tpu.memory_space<vmem>>) target(%dma_start3A_217 : memref<128x128xf32, #tpu.memory_space<hbm>>) target_semaphore(%arg11 : memref<!tpu.dma_semaphore, #tpu.memory_space<semaphore_mem>>)
    %dma_wait3A_221 = arith.constant 5 : i32
    %dma_wait3A_222 = arith.constant 640 : i32
    %dma_wait3A_223 = arith.constant 0 : i32
    %dma_wait3A_224 = tpu.memref_slice %arg9[%dma_wait3A_222, %dma_wait3A_223] : memref<768x128xf32, #tpu.memory_space<vmem>> -> memref<128x128xf32, #tpu.memory_space<vmem>>
    %dma_wait3A_225 = arith.constant 0 : i32
    %dma_wait3A_226 = tpu.memref_slice %arg8[%dma_wait3A_221, %dma_wait3A_225] : memref<8x128xi32, #tpu.memory_space<vmem>> -> memref<1x128xi32, #tpu.memory_space<vmem>>
    %dma_wait3A_227 = tpu.memref_squeeze %dma_wait3A_226 : memref<1x128xi32, #tpu.memory_space<vmem>> -> memref<128xi32, #tpu.memory_space<vmem>>
    %dma_wait3A_228 = arith.constant 0 : i32
    %dma_wait3A_229 = arith.constant 0 : i32
    %dma_wait3A_230 = tpu.memref_slice %arg3[%dma_wait3A_228, %dma_wait3A_229] : memref<100000x128xf32, #tpu.memory_space<hbm>> -> memref<100000x128xf32, #tpu.memory_space<hbm>>
    tpu.wait_indirect_dma semaphore(%arg10 : memref<!tpu.dma_semaphore, #tpu.memory_space<semaphore_mem>>) src(%dma_wait3A_230 : memref<100000x128xf32, #tpu.memory_space<hbm>>) dst(%dma_wait3A_224 : memref<128x128xf32, #tpu.memory_space<vmem>>)
    %dma_start3A_231 = arith.constant 640 : i32
    %dma_start3A_232 = arith.constant 0 : i32
    %dma_start3A_233 = tpu.memref_slice %arg9[%dma_start3A_231, %dma_start3A_232] : memref<768x128xf32, #tpu.memory_space<vmem>> -> memref<128x128xf32, #tpu.memory_space<vmem>>
    %dma_start3A_234 = arith.constant 0 : i32
    %dma_start3A_235 = tpu.memref_slice %arg7[%add3A_18, %dma_start3A_234] : memref<16384x128xf32, #tpu.memory_space<hbm>> -> memref<128x128xf32, #tpu.memory_space<hbm>>
    %dma_start3A_236 = arith.constant 0 : i32
    %dma_start3A_237 = tpu.memref_slice %arg7[%add3A_18, %dma_start3A_236] : memref<16384x128xf32, #tpu.memory_space<hbm>> -> memref<128x128xf32, #tpu.memory_space<hbm>>
    %dma_start3A_238 = arith.constant 640 : i32
    %dma_start3A_239 = arith.constant 0 : i32
    %dma_start3A_240 = tpu.memref_slice %arg9[%dma_start3A_238, %dma_start3A_239] : memref<768x128xf32, #tpu.memory_space<vmem>> -> memref<128x128xf32, #tpu.memory_space<vmem>>
    tpu.enqueue_dma source(%dma_start3A_240 : memref<128x128xf32, #tpu.memory_space<vmem>>) target(%dma_start3A_237 : memref<128x128xf32, #tpu.memory_space<hbm>>) target_semaphore(%arg11 : memref<!tpu.dma_semaphore, #tpu.memory_space<semaphore_mem>>)
    %dma_wait3A_241 = arith.constant 6 : i32
    %dma_wait3A_242 = arith.constant 0 : i32
    %dma_wait3A_243 = arith.constant 0 : i32
    %dma_wait3A_244 = tpu.memref_slice %arg9[%dma_wait3A_242, %dma_wait3A_243] : memref<768x128xf32, #tpu.memory_space<vmem>> -> memref<128x128xf32, #tpu.memory_space<vmem>>
    %dma_wait3A_245 = arith.constant 0 : i32
    %dma_wait3A_246 = tpu.memref_slice %arg8[%dma_wait3A_241, %dma_wait3A_245] : memref<8x128xi32, #tpu.memory_space<vmem>> -> memref<1x128xi32, #tpu.memory_space<vmem>>
    %dma_wait3A_247 = tpu.memref_squeeze %dma_wait3A_246 : memref<1x128xi32, #tpu.memory_space<vmem>> -> memref<128xi32, #tpu.memory_space<vmem>>
    %dma_wait3A_248 = arith.constant 0 : i32
    %dma_wait3A_249 = arith.constant 0 : i32
    %dma_wait3A_250 = tpu.memref_slice %arg3[%dma_wait3A_248, %dma_wait3A_249] : memref<100000x128xf32, #tpu.memory_space<hbm>> -> memref<100000x128xf32, #tpu.memory_space<hbm>>
    tpu.wait_indirect_dma semaphore(%arg10 : memref<!tpu.dma_semaphore, #tpu.memory_space<semaphore_mem>>) src(%dma_wait3A_250 : memref<100000x128xf32, #tpu.memory_space<hbm>>) dst(%dma_wait3A_244 : memref<128x128xf32, #tpu.memory_space<vmem>>)
    %dma_start3A_251 = arith.constant 0 : i32
    %dma_start3A_252 = arith.constant 0 : i32
    %dma_start3A_253 = tpu.memref_slice %arg9[%dma_start3A_251, %dma_start3A_252] : memref<768x128xf32, #tpu.memory_space<vmem>> -> memref<128x128xf32, #tpu.memory_space<vmem>>
    %dma_start3A_254 = arith.constant 0 : i32
    %dma_start3A_255 = tpu.memref_slice %arg7[%add3A_20, %dma_start3A_254] : memref<16384x128xf32, #tpu.memory_space<hbm>> -> memref<128x128xf32, #tpu.memory_space<hbm>>
    %dma_start3A_256 = arith.constant 0 : i32
    %dma_start3A_257 = tpu.memref_slice %arg7[%add3A_20, %dma_start3A_256] : memref<16384x128xf32, #tpu.memory_space<hbm>> -> memref<128x128xf32, #tpu.memory_space<hbm>>
    %dma_start3A_258 = arith.constant 0 : i32
    %dma_start3A_259 = arith.constant 0 : i32
    %dma_start3A_260 = tpu.memref_slice %arg9[%dma_start3A_258, %dma_start3A_259] : memref<768x128xf32, #tpu.memory_space<vmem>> -> memref<128x128xf32, #tpu.memory_space<vmem>>
    tpu.enqueue_dma source(%dma_start3A_260 : memref<128x128xf32, #tpu.memory_space<vmem>>) target(%dma_start3A_257 : memref<128x128xf32, #tpu.memory_space<hbm>>) target_semaphore(%arg11 : memref<!tpu.dma_semaphore, #tpu.memory_space<semaphore_mem>>)
    %dma_wait3A_261 = arith.constant 7 : i32
    %dma_wait3A_262 = arith.constant 128 : i32
    %dma_wait3A_263 = arith.constant 0 : i32
    %dma_wait3A_264 = tpu.memref_slice %arg9[%dma_wait3A_262, %dma_wait3A_263] : memref<768x128xf32, #tpu.memory_space<vmem>> -> memref<128x128xf32, #tpu.memory_space<vmem>>
    %dma_wait3A_265 = arith.constant 0 : i32
    %dma_wait3A_266 = tpu.memref_slice %arg8[%dma_wait3A_261, %dma_wait3A_265] : memref<8x128xi32, #tpu.memory_space<vmem>> -> memref<1x128xi32, #tpu.memory_space<vmem>>
    %dma_wait3A_267 = tpu.memref_squeeze %dma_wait3A_266 : memref<1x128xi32, #tpu.memory_space<vmem>> -> memref<128xi32, #tpu.memory_space<vmem>>
    %dma_wait3A_268 = arith.constant 0 : i32
    %dma_wait3A_269 = arith.constant 0 : i32
    %dma_wait3A_270 = tpu.memref_slice %arg3[%dma_wait3A_268, %dma_wait3A_269] : memref<100000x128xf32, #tpu.memory_space<hbm>> -> memref<100000x128xf32, #tpu.memory_space<hbm>>
    tpu.wait_indirect_dma semaphore(%arg10 : memref<!tpu.dma_semaphore, #tpu.memory_space<semaphore_mem>>) src(%dma_wait3A_270 : memref<100000x128xf32, #tpu.memory_space<hbm>>) dst(%dma_wait3A_264 : memref<128x128xf32, #tpu.memory_space<vmem>>)
    %dma_start3A_271 = arith.constant 128 : i32
    %dma_start3A_272 = arith.constant 0 : i32
    %dma_start3A_273 = tpu.memref_slice %arg9[%dma_start3A_271, %dma_start3A_272] : memref<768x128xf32, #tpu.memory_space<vmem>> -> memref<128x128xf32, #tpu.memory_space<vmem>>
    %dma_start3A_274 = arith.constant 0 : i32
    %dma_start3A_275 = tpu.memref_slice %arg7[%add3A_22, %dma_start3A_274] : memref<16384x128xf32, #tpu.memory_space<hbm>> -> memref<128x128xf32, #tpu.memory_space<hbm>>
    %dma_start3A_276 = arith.constant 0 : i32
    %dma_start3A_277 = tpu.memref_slice %arg7[%add3A_22, %dma_start3A_276] : memref<16384x128xf32, #tpu.memory_space<hbm>> -> memref<128x128xf32, #tpu.memory_space<hbm>>
    %dma_start3A_278 = arith.constant 128 : i32
    %dma_start3A_279 = arith.constant 0 : i32
    %dma_start3A_280 = tpu.memref_slice %arg9[%dma_start3A_278, %dma_start3A_279] : memref<768x128xf32, #tpu.memory_space<vmem>> -> memref<128x128xf32, #tpu.memory_space<vmem>>
    tpu.enqueue_dma source(%dma_start3A_280 : memref<128x128xf32, #tpu.memory_space<vmem>>) target(%dma_start3A_277 : memref<128x128xf32, #tpu.memory_space<hbm>>) target_semaphore(%arg11 : memref<!tpu.dma_semaphore, #tpu.memory_space<semaphore_mem>>)
    %dma_wait3A_281 = arith.constant 256 : i32
    %dma_wait3A_282 = arith.constant 0 : i32
    %dma_wait3A_283 = tpu.memref_slice %arg9[%dma_wait3A_281, %dma_wait3A_282] : memref<768x128xf32, #tpu.memory_space<vmem>> -> memref<128x128xf32, #tpu.memory_space<vmem>>
    %dma_wait3A_284 = arith.constant 0 : i32
    %dma_wait3A_285 = tpu.memref_slice %arg6[%add3A_12, %dma_wait3A_284] : memref<16384x128xf32, #tpu.memory_space<hbm>> -> memref<128x128xf32, #tpu.memory_space<hbm>>
    %dma_wait3A_286 = arith.constant 0 : i32
    %dma_wait3A_287 = tpu.memref_slice %arg6[%add3A_12, %dma_wait3A_286] : memref<16384x128xf32, #tpu.memory_space<hbm>> -> memref<128x128xf32, #tpu.memory_space<hbm>>
    %dma_wait3A_288 = arith.constant 256 : i32
    %dma_wait3A_289 = arith.constant 0 : i32
    %dma_wait3A_290 = tpu.memref_slice %arg9[%dma_wait3A_288, %dma_wait3A_289] : memref<768x128xf32, #tpu.memory_space<vmem>> -> memref<128x128xf32, #tpu.memory_space<vmem>>
    tpu.wait_dma2 semaphore(%arg11 : memref<!tpu.dma_semaphore, #tpu.memory_space<semaphore_mem>>) src(%dma_wait3A_290 : memref<128x128xf32, #tpu.memory_space<vmem>>) dst(%dma_wait3A_287 : memref<128x128xf32, #tpu.memory_space<hbm>>)
    %dma_wait3A_291 = arith.constant 384 : i32
    %dma_wait3A_292 = arith.constant 0 : i32
    %dma_wait3A_293 = tpu.memref_slice %arg9[%dma_wait3A_291, %dma_wait3A_292] : memref<768x128xf32, #tpu.memory_space<vmem>> -> memref<128x128xf32, #tpu.memory_space<vmem>>
    %dma_wait3A_294 = arith.constant 0 : i32
    %dma_wait3A_295 = tpu.memref_slice %arg6[%add3A_14, %dma_wait3A_294] : memref<16384x128xf32, #tpu.memory_space<hbm>> -> memref<128x128xf32, #tpu.memory_space<hbm>>
    %dma_wait3A_296 = arith.constant 0 : i32
    %dma_wait3A_297 = tpu.memref_slice %arg6[%add3A_14, %dma_wait3A_296] : memref<16384x128xf32, #tpu.memory_space<hbm>> -> memref<128x128xf32, #tpu.memory_space<hbm>>
    %dma_wait3A_298 = arith.constant 384 : i32
    %dma_wait3A_299 = arith.constant 0 : i32
    %dma_wait3A_300 = tpu.memref_slice %arg9[%dma_wait3A_298, %dma_wait3A_299] : memref<768x128xf32, #tpu.memory_space<vmem>> -> memref<128x128xf32, #tpu.memory_space<vmem>>
    tpu.wait_dma2 semaphore(%arg11 : memref<!tpu.dma_semaphore, #tpu.memory_space<semaphore_mem>>) src(%dma_wait3A_300 : memref<128x128xf32, #tpu.memory_space<vmem>>) dst(%dma_wait3A_297 : memref<128x128xf32, #tpu.memory_space<hbm>>)
    %dma_wait3A_301 = arith.constant 512 : i32
    %dma_wait3A_302 = arith.constant 0 : i32
    %dma_wait3A_303 = tpu.memref_slice %arg9[%dma_wait3A_301, %dma_wait3A_302] : memref<768x128xf32, #tpu.memory_space<vmem>> -> memref<128x128xf32, #tpu.memory_space<vmem>>
    %dma_wait3A_304 = arith.constant 0 : i32
    %dma_wait3A_305 = tpu.memref_slice %arg7[%add3A_16, %dma_wait3A_304] : memref<16384x128xf32, #tpu.memory_space<hbm>> -> memref<128x128xf32, #tpu.memory_space<hbm>>
    %dma_wait3A_306 = arith.constant 0 : i32
    %dma_wait3A_307 = tpu.memref_slice %arg7[%add3A_16, %dma_wait3A_306] : memref<16384x128xf32, #tpu.memory_space<hbm>> -> memref<128x128xf32, #tpu.memory_space<hbm>>
    %dma_wait3A_308 = arith.constant 512 : i32
    %dma_wait3A_309 = arith.constant 0 : i32
    %dma_wait3A_310 = tpu.memref_slice %arg9[%dma_wait3A_308, %dma_wait3A_309] : memref<768x128xf32, #tpu.memory_space<vmem>> -> memref<128x128xf32, #tpu.memory_space<vmem>>
    tpu.wait_dma2 semaphore(%arg11 : memref<!tpu.dma_semaphore, #tpu.memory_space<semaphore_mem>>) src(%dma_wait3A_310 : memref<128x128xf32, #tpu.memory_space<vmem>>) dst(%dma_wait3A_307 : memref<128x128xf32, #tpu.memory_space<hbm>>)
    %dma_wait3A_311 = arith.constant 640 : i32
    %dma_wait3A_312 = arith.constant 0 : i32
    %dma_wait3A_313 = tpu.memref_slice %arg9[%dma_wait3A_311, %dma_wait3A_312] : memref<768x128xf32, #tpu.memory_space<vmem>> -> memref<128x128xf32, #tpu.memory_space<vmem>>
    %dma_wait3A_314 = arith.constant 0 : i32
    %dma_wait3A_315 = tpu.memref_slice %arg7[%add3A_18, %dma_wait3A_314] : memref<16384x128xf32, #tpu.memory_space<hbm>> -> memref<128x128xf32, #tpu.memory_space<hbm>>
    %dma_wait3A_316 = arith.constant 0 : i32
    %dma_wait3A_317 = tpu.memref_slice %arg7[%add3A_18, %dma_wait3A_316] : memref<16384x128xf32, #tpu.memory_space<hbm>> -> memref<128x128xf32, #tpu.memory_space<hbm>>
    %dma_wait3A_318 = arith.constant 640 : i32
    %dma_wait3A_319 = arith.constant 0 : i32
    %dma_wait3A_320 = tpu.memref_slice %arg9[%dma_wait3A_318, %dma_wait3A_319] : memref<768x128xf32, #tpu.memory_space<vmem>> -> memref<128x128xf32, #tpu.memory_space<vmem>>
    tpu.wait_dma2 semaphore(%arg11 : memref<!tpu.dma_semaphore, #tpu.memory_space<semaphore_mem>>) src(%dma_wait3A_320 : memref<128x128xf32, #tpu.memory_space<vmem>>) dst(%dma_wait3A_317 : memref<128x128xf32, #tpu.memory_space<hbm>>)
    %dma_wait3A_321 = arith.constant 0 : i32
    %dma_wait3A_322 = arith.constant 0 : i32
    %dma_wait3A_323 = tpu.memref_slice %arg9[%dma_wait3A_321, %dma_wait3A_322] : memref<768x128xf32, #tpu.memory_space<vmem>> -> memref<128x128xf32, #tpu.memory_space<vmem>>
    %dma_wait3A_324 = arith.constant 0 : i32
    %dma_wait3A_325 = tpu.memref_slice %arg7[%add3A_20, %dma_wait3A_324] : memref<16384x128xf32, #tpu.memory_space<hbm>> -> memref<128x128xf32, #tpu.memory_space<hbm>>
    %dma_wait3A_326 = arith.constant 0 : i32
    %dma_wait3A_327 = tpu.memref_slice %arg7[%add3A_20, %dma_wait3A_326] : memref<16384x128xf32, #tpu.memory_space<hbm>> -> memref<128x128xf32, #tpu.memory_space<hbm>>
    %dma_wait3A_328 = arith.constant 0 : i32
    %dma_wait3A_329 = arith.constant 0 : i32
    %dma_wait3A_330 = tpu.memref_slice %arg9[%dma_wait3A_328, %dma_wait3A_329] : memref<768x128xf32, #tpu.memory_space<vmem>> -> memref<128x128xf32, #tpu.memory_space<vmem>>
    tpu.wait_dma2 semaphore(%arg11 : memref<!tpu.dma_semaphore, #tpu.memory_space<semaphore_mem>>) src(%dma_wait3A_330 : memref<128x128xf32, #tpu.memory_space<vmem>>) dst(%dma_wait3A_327 : memref<128x128xf32, #tpu.memory_space<hbm>>)
    %dma_wait3A_331 = arith.constant 128 : i32
    %dma_wait3A_332 = arith.constant 0 : i32
    %dma_wait3A_333 = tpu.memref_slice %arg9[%dma_wait3A_331, %dma_wait3A_332] : memref<768x128xf32, #tpu.memory_space<vmem>> -> memref<128x128xf32, #tpu.memory_space<vmem>>
    %dma_wait3A_334 = arith.constant 0 : i32
    %dma_wait3A_335 = tpu.memref_slice %arg7[%add3A_22, %dma_wait3A_334] : memref<16384x128xf32, #tpu.memory_space<hbm>> -> memref<128x128xf32, #tpu.memory_space<hbm>>
    %dma_wait3A_336 = arith.constant 0 : i32
    %dma_wait3A_337 = tpu.memref_slice %arg7[%add3A_22, %dma_wait3A_336] : memref<16384x128xf32, #tpu.memory_space<hbm>> -> memref<128x128xf32, #tpu.memory_space<hbm>>
    %dma_wait3A_338 = arith.constant 128 : i32
    %dma_wait3A_339 = arith.constant 0 : i32
    %dma_wait3A_340 = tpu.memref_slice %arg9[%dma_wait3A_338, %dma_wait3A_339] : memref<768x128xf32, #tpu.memory_space<vmem>> -> memref<128x128xf32, #tpu.memory_space<vmem>>
    tpu.wait_dma2 semaphore(%arg11 : memref<!tpu.dma_semaphore, #tpu.memory_space<semaphore_mem>>) src(%dma_wait3A_340 : memref<128x128xf32, #tpu.memory_space<vmem>>) dst(%dma_wait3A_337 : memref<128x128xf32, #tpu.memory_space<hbm>>)
    return
  }
}

module attributes {stable_mosaic.version = 14 : i64} {
  func.func @_tc_body(%arg0: i32, %arg1: memref<4096x128xf32, #tpu.memory_space<vmem>>, %arg2: memref<4096x128xf32, #tpu.memory_space<vmem>>, %arg3: memref<128x192xbf16, #tpu.memory_space<vmem>>, %arg4: memref<1x192xbf16, #tpu.memory_space<vmem>>, %arg5: memref<192x192xbf16, #tpu.memory_space<vmem>>, %arg6: memref<1x192xbf16, #tpu.memory_space<vmem>>, %arg7: memref<192x192xbf16, #tpu.memory_space<vmem>>, %arg8: memref<1x192xbf16, #tpu.memory_space<vmem>>, %arg9: memref<192x128xbf16, #tpu.memory_space<vmem>>, %arg10: memref<1x128xbf16, #tpu.memory_space<vmem>>, %arg11: memref<4096xf32, #tpu.memory_space<vmem>>) attributes {dimension_semantics = [#tpu.dimension_semantics<arbitrary>], iteration_bounds = array<i64: 4>, scalar_prefetch = 0 : i64, scratch_operands = 0 : i64, tpu.core_type = #tpu.core_type<tc>, window_params = [{transform_indices = @transform_0, window_bounds = array<i64: 4096, 128>}, {transform_indices = @transform_1, window_bounds = array<i64: 4096, 128>}, {pipeline_mode = #tpu.pipeline_mode<synchronous>, transform_indices = @transform_2, window_bounds = array<i64: 128, 192>}, {pipeline_mode = #tpu.pipeline_mode<synchronous>, transform_indices = @transform_3, window_bounds = array<i64: 1, 192>}, {pipeline_mode = #tpu.pipeline_mode<synchronous>, transform_indices = @transform_4, window_bounds = array<i64: 192, 192>}, {pipeline_mode = #tpu.pipeline_mode<synchronous>, transform_indices = @transform_5, window_bounds = array<i64: 1, 192>}, {pipeline_mode = #tpu.pipeline_mode<synchronous>, transform_indices = @transform_6, window_bounds = array<i64: 192, 192>}, {pipeline_mode = #tpu.pipeline_mode<synchronous>, transform_indices = @transform_7, window_bounds = array<i64: 1, 192>}, {pipeline_mode = #tpu.pipeline_mode<synchronous>, transform_indices = @transform_8, window_bounds = array<i64: 192, 128>}, {pipeline_mode = #tpu.pipeline_mode<synchronous>, transform_indices = @transform_9, window_bounds = array<i64: 1, 128>}, {transform_indices = @transform_10, window_bounds = array<i64: 4096>}]} {
    %get3A = arith.constant 0 : index
    %get3A_0 = arith.constant 0 : index
    %get3A_1 = vector.load %arg1[%get3A, %get3A_0] : memref<4096x128xf32, #tpu.memory_space<vmem>>, vector<4096x128xf32>
    %convert_element_type3A = arith.truncf %get3A_1 : vector<4096x128xf32> to vector<4096x128xbf16>
    %get3A_2 = arith.constant 0 : index
    %get3A_3 = arith.constant 0 : index
    %get3A_4 = vector.load %arg3[%get3A_2, %get3A_3] : memref<128x192xbf16, #tpu.memory_space<vmem>>, vector<128x192xbf16>
    %dot_general3A = arith.constant dense<0.000000e+00> : vector<4096x192xf32>
    %dot_general3A_5 = tpu.matmul %convert_element_type3A, %get3A_4, %dot_general3A {dimension_numbers = #tpu.dot_dimension_numbers<[1], [0], [0], [1], [0, 0, 1, 1], [], []>, transpose_lhs_hint = false} : vector<4096x128xbf16>, vector<128x192xbf16>, vector<4096x192xf32> -> vector<4096x192xf32>
    %convert_element_type3A_6 = arith.truncf %dot_general3A_5 : vector<4096x192xf32> to vector<4096x192xbf16>
    %get3A_7 = arith.constant 0 : index
    %get3A_8 = arith.constant 0 : index
    %get3A_9 = vector.load %arg4[%get3A_7, %get3A_8] : memref<1x192xbf16, #tpu.memory_space<vmem>>, vector<1x192xbf16>
    %add3A = vector.broadcast %get3A_9 : vector<1x192xbf16> to vector<4096x192xbf16>
    %add3A_10 = arith.addf %convert_element_type3A_6, %add3A : vector<4096x192xbf16>
    %max3A = arith.constant 0.000000e+00 : bf16
    %max3A_11 = vector.broadcast %max3A : bf16 to vector<4096x192xbf16>
    %max3A_12 = arith.maximumf %add3A_10, %max3A_11 : vector<4096x192xbf16>
    %get3A_13 = arith.constant 0 : index
    %get3A_14 = arith.constant 0 : index
    %get3A_15 = vector.load %arg5[%get3A_13, %get3A_14] : memref<192x192xbf16, #tpu.memory_space<vmem>>, vector<192x192xbf16>
    %dot_general3A_16 = arith.constant dense<0.000000e+00> : vector<4096x192xf32>
    %dot_general3A_17 = tpu.matmul %max3A_12, %get3A_15, %dot_general3A_16 {dimension_numbers = #tpu.dot_dimension_numbers<[1], [0], [0], [1], [0, 0, 1, 1], [], []>, transpose_lhs_hint = false} : vector<4096x192xbf16>, vector<192x192xbf16>, vector<4096x192xf32> -> vector<4096x192xf32>
    %convert_element_type3A_18 = arith.truncf %dot_general3A_17 : vector<4096x192xf32> to vector<4096x192xbf16>
    %get3A_19 = arith.constant 0 : index
    %get3A_20 = arith.constant 0 : index
    %get3A_21 = vector.load %arg6[%get3A_19, %get3A_20] : memref<1x192xbf16, #tpu.memory_space<vmem>>, vector<1x192xbf16>
    %add3A_22 = vector.broadcast %get3A_21 : vector<1x192xbf16> to vector<4096x192xbf16>
    %add3A_23 = arith.addf %convert_element_type3A_18, %add3A_22 : vector<4096x192xbf16>
    %max3A_24 = arith.constant 0.000000e+00 : bf16
    %max3A_25 = vector.broadcast %max3A_24 : bf16 to vector<4096x192xbf16>
    %max3A_26 = arith.maximumf %add3A_23, %max3A_25 : vector<4096x192xbf16>
    %get3A_27 = arith.constant 0 : index
    %get3A_28 = arith.constant 0 : index
    %get3A_29 = vector.load %arg7[%get3A_27, %get3A_28] : memref<192x192xbf16, #tpu.memory_space<vmem>>, vector<192x192xbf16>
    %dot_general3A_30 = arith.constant dense<0.000000e+00> : vector<4096x192xf32>
    %dot_general3A_31 = tpu.matmul %max3A_26, %get3A_29, %dot_general3A_30 {dimension_numbers = #tpu.dot_dimension_numbers<[1], [0], [0], [1], [0, 0, 1, 1], [], []>, transpose_lhs_hint = false} : vector<4096x192xbf16>, vector<192x192xbf16>, vector<4096x192xf32> -> vector<4096x192xf32>
    %convert_element_type3A_32 = arith.truncf %dot_general3A_31 : vector<4096x192xf32> to vector<4096x192xbf16>
    %get3A_33 = arith.constant 0 : index
    %get3A_34 = arith.constant 0 : index
    %get3A_35 = vector.load %arg8[%get3A_33, %get3A_34] : memref<1x192xbf16, #tpu.memory_space<vmem>>, vector<1x192xbf16>
    %add3A_36 = vector.broadcast %get3A_35 : vector<1x192xbf16> to vector<4096x192xbf16>
    %add3A_37 = arith.addf %convert_element_type3A_32, %add3A_36 : vector<4096x192xbf16>
    %max3A_38 = arith.constant 0.000000e+00 : bf16
    %max3A_39 = vector.broadcast %max3A_38 : bf16 to vector<4096x192xbf16>
    %max3A_40 = arith.maximumf %add3A_37, %max3A_39 : vector<4096x192xbf16>
    %get3A_41 = arith.constant 0 : index
    %get3A_42 = arith.constant 0 : index
    %get3A_43 = vector.load %arg9[%get3A_41, %get3A_42] : memref<192x128xbf16, #tpu.memory_space<vmem>>, vector<192x128xbf16>
    %dot_general3A_44 = arith.constant dense<0.000000e+00> : vector<4096x128xf32>
    %dot_general3A_45 = tpu.matmul %max3A_40, %get3A_43, %dot_general3A_44 {dimension_numbers = #tpu.dot_dimension_numbers<[1], [0], [0], [1], [0, 0, 1, 1], [], []>, transpose_lhs_hint = false} : vector<4096x192xbf16>, vector<192x128xbf16>, vector<4096x128xf32> -> vector<4096x128xf32>
    %convert_element_type3A_46 = arith.truncf %dot_general3A_45 : vector<4096x128xf32> to vector<4096x128xbf16>
    %get3A_47 = arith.constant 0 : index
    %get3A_48 = arith.constant 0 : index
    %get3A_49 = vector.load %arg10[%get3A_47, %get3A_48] : memref<1x128xbf16, #tpu.memory_space<vmem>>, vector<1x128xbf16>
    %add3A_50 = vector.broadcast %get3A_49 : vector<1x128xbf16> to vector<4096x128xbf16>
    %add3A_51 = arith.addf %convert_element_type3A_46, %add3A_50 : vector<4096x128xbf16>
    %broadcast_in_dim3A = arith.constant 3.339840e-01 : bf16
    %broadcast_in_dim3A_52 = vector.broadcast %broadcast_in_dim3A : bf16 to vector<1x128xbf16>
    %get3A_53 = arith.constant 0 : index
    %get3A_54 = arith.constant 0 : index
    %get3A_55 = vector.load %arg2[%get3A_53, %get3A_54] : memref<4096x128xf32, #tpu.memory_space<vmem>>, vector<4096x128xf32>
    %convert_element_type3A_56 = arith.truncf %get3A_55 : vector<4096x128xf32> to vector<4096x128xbf16>
    %mul3A = arith.mulf %add3A_51, %convert_element_type3A_56 : vector<4096x128xbf16>
    %dot_general3A_57 = arith.constant dense<0.000000e+00> : vector<1x4096xf32>
    %dot_general3A_58 = tpu.matmul %broadcast_in_dim3A_52, %mul3A, %dot_general3A_57 {dimension_numbers = #tpu.dot_dimension_numbers<[1], [1], [0], [0], [0, 0, 1, 0], [], []>, transpose_lhs_hint = false} : vector<1x128xbf16>, vector<4096x128xbf16>, vector<1x4096xf32> -> vector<1x4096xf32>
    %squeeze3A = vector.shape_cast %dot_general3A_58 : vector<1x4096xf32> to vector<4096xf32>
    %swap3A = arith.constant 0 : index
    %swap3A_59 = vector.load %arg11[%swap3A] : memref<4096xf32, #tpu.memory_space<vmem>>, vector<4096xf32>
    tpu.vector_store %arg11[%swap3A], %squeeze3A {strides = array<i32>} : memref<4096xf32, #tpu.memory_space<vmem>>, vector<4096xf32>,
    return
  }
  func.func @transform_0(%arg0: i32) -> (i32, i32) {
    %c0_i32 = arith.constant 0 : i32
    %c0_i32_0 = arith.constant 0 : i32
    return %arg0, %c0_i32 : i32, i32
  }
  func.func @transform_1(%arg0: i32) -> (i32, i32) {
    %c0_i32 = arith.constant 0 : i32
    %c0_i32_0 = arith.constant 0 : i32
    return %arg0, %c0_i32 : i32, i32
  }
  func.func @transform_2(%arg0: i32) -> (i32, i32) {
    %c0_i32 = arith.constant 0 : i32
    %c0_i32_0 = arith.constant 0 : i32
    %c0_i32_1 = arith.constant 0 : i32
    return %c0_i32, %c0_i32_0 : i32, i32
  }
  func.func @transform_3(%arg0: i32) -> (i32, i32) {
    %c0_i32 = arith.constant 0 : i32
    %c0_i32_0 = arith.constant 0 : i32
    %c0_i32_1 = arith.constant 0 : i32
    return %c0_i32, %c0_i32_0 : i32, i32
  }
  func.func @transform_4(%arg0: i32) -> (i32, i32) {
    %c0_i32 = arith.constant 0 : i32
    %c0_i32_0 = arith.constant 0 : i32
    %c0_i32_1 = arith.constant 0 : i32
    return %c0_i32, %c0_i32_0 : i32, i32
  }
  func.func @transform_5(%arg0: i32) -> (i32, i32) {
    %c0_i32 = arith.constant 0 : i32
    %c0_i32_0 = arith.constant 0 : i32
    %c0_i32_1 = arith.constant 0 : i32
    return %c0_i32, %c0_i32_0 : i32, i32
  }
  func.func @transform_6(%arg0: i32) -> (i32, i32) {
    %c0_i32 = arith.constant 0 : i32
    %c0_i32_0 = arith.constant 0 : i32
    %c0_i32_1 = arith.constant 0 : i32
    return %c0_i32, %c0_i32_0 : i32, i32
  }
  func.func @transform_7(%arg0: i32) -> (i32, i32) {
    %c0_i32 = arith.constant 0 : i32
    %c0_i32_0 = arith.constant 0 : i32
    %c0_i32_1 = arith.constant 0 : i32
    return %c0_i32, %c0_i32_0 : i32, i32
  }
  func.func @transform_8(%arg0: i32) -> (i32, i32) {
    %c0_i32 = arith.constant 0 : i32
    %c0_i32_0 = arith.constant 0 : i32
    %c0_i32_1 = arith.constant 0 : i32
    return %c0_i32, %c0_i32_0 : i32, i32
  }
  func.func @transform_9(%arg0: i32) -> (i32, i32) {
    %c0_i32 = arith.constant 0 : i32
    %c0_i32_0 = arith.constant 0 : i32
    %c0_i32_1 = arith.constant 0 : i32
    return %c0_i32, %c0_i32_0 : i32, i32
  }
  func.func @transform_10(%arg0: i32) -> i32 {
    %c0_i32 = arith.constant 0 : i32
    return %arg0 : i32
  }
}

</mosaic_0001>

<sc_bundles>
// kernel: kernel.4.cloned.1.call-start
scs
__scs_entry_jumppad:
0x0: {  	(pc) =	sbr.rel $0x88, $3  }
0x1: {  	(tag) =	ssettag $0x0;
	lr =	simm.s32 $0x1  }
0x2: {  	[smem:$0x3F85] =	sst lr;
	_ =	strace $0xD0000000  }
0x3: {  	_ = 	snop  }
0x4: {  	_ = 	snop  }
0x5: {  	_ = 	snop  }
0x6: {  	_ = 	snop  }
0x7: {  	_ = 	snop  }
__scs_overlays_trampoline_lowered:
0x8: {  	[smem:$0x3F94] =	sst s0  }
0x9: {  	[smem:$0x3F95] =	sst s1  }
0xa: {  	[smem:$0x3F96] =	sst s2  }
0xb: {  	[smem:$0x3F97] =	sst s3  }
0xc: {  	[smem:$0x3F98] =	sst s4  }
0xd: {  	[smem:$0x3F99] =	sst s5  }
0xe: {  	[smem:$0x3F9A] =	sst s6  }
0xf: {  	[smem:$0x3F9B] =	sst s7  }
0x10: {  	[smem:$0x3F9C] =	sst s8  }
0x11: {  	[smem:$0x3F9D] =	sst s9;
	s0 =	simm.s32 @!p0 $0x0  }
0x12: {  	s1 =	sld [smem:$0x3F83];
	s0 =	simm.s32 @p0 $0x1  }
0x13: {  	[smem:$0x3F9E] =	sst s0;
	s0 =	simm.s32 @!p1 $0x0  }
0x14: {  	s2 =	sld [smem:$0x3F82];
	s0 =	simm.s32 @p1 $0x1  }
0x15: {  	[smem:$0x3F9F] =	sst s0;
	s0 =	simm.s32 @!p2 $0x0  }
0x16: {  	s3 =	sld [smem:$0x3FDB];
	s0 =	simm.s32 @p2 $0x1  }
0x17: {  	s4 =	simm.s32 $0x1BF5;
	[smem:$0x3FA1] =	sst s0  }
0x18: {  	s0 =	sld [smem:$0x3F84];
	_ =	swait.ge [sflag:s4], $0x0  }
0x19: {  	s7 =	sld [smem:$0x3F85]  }
0x1a: {  	s8 =	sadd.s32 $0xFFFFE003, lr  }
0x1b: {  	s9 =	sadd.s32 $0xFFFFFEF7, lr;
	s5 =	simm.s32 $0xFFFFFFFF;
	p2 =	slt.u32 s8, $0xFFFFF086  }
0x1c: {  	p1 =	slt.u32 s9, $0xF7A;
	s5 =	simm.s32 @!p2 $0x0  }
0x1d: {  	s5 =	simm.s32 @p1 $0x1;
	p0 =	seq.s32 s7, s2  }
0x1e: {  	s7 =	smul.u32 @!p0 $0xF7A, s2;
	p2 =	seq.s32 @!p0 s5, $0x0  }
0x1f: {  	s9 =	smul.u32 $0xF7A, s1;
	s8 =	simm.s32 @!p0 $0x1BF5;
	p2 =	por !p2, p0  }
0x20: {  	[sflag:s8] =	ssyncset.s32 @!p0 $0xFFFFF086;
	s6 =	sadd.s32 @!p0 s3, s7;
	s7 =	simm.s32 @!p0 $0x108  }
0x21: {  	s3 =	sadd.s32 s3, s9;
	s6 =	sadd.s32 @!p0 $0x88, s6;
	s7 =	simm.s32 @p2 $0x1082  }
0x22: {  	[simem:s7], [sflag:s8] =	dma.local @!p0 [hbm:s6], $0xF7A  }
0x23: {  	s9 =	sor.u32 $0xD0000000, s2;
	s6 =	simm.s32 $0x108;
	_ =	swait.ge @!p0 [sflag:s8], $0x0  }
0x24: {  	s3 =	sadd.s32 $0x88, s3;
	s6 =	simm.s32 @!p1 $0x1082;
	[sflag:s4] =	ssyncset.s32 $0xFFFFF086  }
0x25: {  	[simem:s6], [sflag:s4] =	dma.local [hbm:s3], $0xF7A  }
0x26: {  	[smem:$0x3F85] =	sst s1;
	(tag) =	ssettag s2;
	_ =	strace s9  }
0x27: {  	s1 =	sld [smem:$0x3F95]  }
0x28: {  	s2 =	sld [smem:$0x3F96]  }
0x29: {  	s4 =	sld [smem:$0x3F98]  }
0x2a: {  	p0 =	seq.s32 s5, $0x0;
	s5 =	sld [smem:$0x3F99]  }
0x2b: {  	s6 =	sld [smem:$0x3F9A]  }
0x2c: {  	s7 =	sld [smem:$0x3F9B]  }
0x2d: {  	s3 =	simm.s32 $0x108;
	s8 =	sld [smem:$0x3F9C]  }
0x2e: {  	s3 =	simm.s32 @!p0 $0x1082;
	s9 =	sld [smem:$0x3F9D]  }
0x2f: {  	lr =	sadd.s32 s0, s3;
	s0 =	sld [smem:$0x3F94]  }
0x30: {  	s3 =	sld [smem:$0x3F97]  }
0x31: {  	[smem:$0x3FA0] =	sst s10  }
0x32: {  	s10 =	sld [smem:$0x3F9E];
	_ =	sdelay $0x3  }
0x33: {  	p0 =	seq.s32 s10, $0x1;
	s10 =	sld [smem:$0x3FA0];
	_ =	sdelay $0x3  }
0x34: {  	[smem:$0x3FA0] =	sst s10  }
0x35: {  	s10 =	sld [smem:$0x3F9F];
	_ =	sdelay $0x3  }
0x36: {  	p1 =	seq.s32 s10, $0x1;
	s10 =	sld [smem:$0x3FA0];
	_ =	sdelay $0x3  }
0x37: {  	[smem:$0x3FA0] =	sst s10  }
0x38: {  	s10 =	sld [smem:$0x3FA1]  }
0x39: {  	_ = 	snop;
	(pc) =	sbr.ind lr, $3  }
0x3a: {  	_ = 	snop  }
0x3b: {  	_ = 	snop  }
0x3c: {  	p2 =	seq.s32 s10, $0x1;
	s10 =	sld [smem:$0x3FA0]  }
0x3d: {  	_ =	shalt  }
0x3e: {  	_ =	shalt  }
0x3f: {  	_ =	shalt  }
0x40: {  	_ =	shalt  }
0x41: {  	_ =	shalt  }
0x42: {  	_ =	shalt  }
0x43: {  	_ =	shalt  }
0x44: {  	_ =	shalt  }
0x45: {  	_ =	shalt  }
0x46: {  	_ =	shalt  }
0x47: {  	_ =	shalt  }
0x48: {  	_ =	shalt  }
0x49: {  	_ =	shalt  }
0x4a: {  	_ =	shalt  }
0x4b: {  	_ =	shalt  }
0x4c: {  	_ =	shalt  }
0x4d: {  	_ =	shalt  }
0x4e: {  	_ =	shalt  }
0x4f: {  	_ =	shalt  }
0x50: {  	_ =	shalt  }
0x51: {  	_ =	shalt  }
0x52: {  	_ =	shalt  }
0x53: {  	_ =	shalt  }
0x54: {  	_ =	shalt  }
0x55: {  	_ =	shalt  }
0x56: {  	_ =	shalt  }
0x57: {  	_ =	shalt  }
0x58: {  	_ =	shalt  }
0x59: {  	_ =	shalt  }
0x5a: {  	_ =	shalt  }
0x5b: {  	_ =	shalt  }
0x5c: {  	_ =	shalt  }
0x5d: {  	_ =	shalt  }
0x5e: {  	_ =	shalt  }
0x5f: {  	_ =	shalt  }
0x60: {  	_ =	shalt  }
0x61: {  	_ =	shalt  }
0x62: {  	_ =	shalt  }
0x63: {  	_ =	shalt  }
0x64: {  	_ =	shalt  }
0x65: {  	_ =	shalt  }
0x66: {  	_ =	shalt  }
0x67: {  	_ =	shalt  }
0x68: {  	_ =	shalt  }
0x69: {  	_ =	shalt  }
0x6a: {  	_ =	shalt  }
0x6b: {  	_ =	shalt  }
0x6c: {  	_ =	shalt  }
0x6d: {  	_ =	shalt  }
0x6e: {  	_ =	shalt  }
0x6f: {  	_ =	shalt  }
0x70: {  	_ =	shalt  }
0x71: {  	_ =	shalt  }
0x72: {  	_ =	shalt  }
0x73: {  	_ =	shalt  }
0x74: {  	_ =	shalt  }
0x75: {  	_ =	shalt  }
0x76: {  	_ =	shalt  }
0x77: {  	_ =	shalt  }
0x78: {  	_ =	shalt  }
0x79: {  	_ =	shalt  }
0x7a: {  	_ =	shalt  }
0x7b: {  	_ =	shalt  }
0x7c: {  	_ =	shalt  }
0x7d: {  	_ =	shalt  }
0x7e: {  	_ =	shalt  }
0x7f: {  	_ =	shalt  }
0x80: {  	_ =	shalt  }
0x81: {  	_ =	shalt  }
0x82: {  	_ =	shalt  }
0x83: {  	_ =	shalt  }
0x84: {  	_ =	shalt  }
0x85: {  	_ =	shalt  }
0x86: {  	_ =	shalt  }
0x87: {  	_ =	shalt  }
.Lfunc_end0:
.L_simem_size_0:
called_computation_lowered:
.L_overlay_start_0:
0x88: {  	s2 =	sld [smem:$0x3FD9]  }
0x89: {  	s3 =	sld [smem:$0x3FFE];
	_ =	sdelay $0x1  }
0x8a: {  	s1 =	srdreg.scid  }
0x8b: {  	s0 =	sand.u32 $0x1, s1  }
0x8c: {  	s17 =	sshll.u32 s0, $0xA;
	s2 =	sadd.s32 s3, s2  }
0x8d: {  	s2 =	sadd.s32 s2, s17  }
0x8e: {  	[smem:$0x3FAC] =	sst s2  }
0x8f: {  	_ = 	snop  }
0x90: {  	s2 =	sld [smem:$0x3FC9]  }
0x91: {  	s18 =	sld [smem:$0x3FC8]  }
0x92: {  	s4 =	sld [smem:$0x3FC7]  }
0x93: {  	s5 =	sld [smem:$0x3FC6];
	(tm) =	ssettm $0x1  }
0x94: {  	s6 =	sld [smem:$0x3FFB];
	_ =	sdelay $0x3  }
0x95: {  	_ =	strace s6  }
0x96: {  	s6 =	sld [smem:$0x3FFC];
	_ =	sdelay $0x3  }
0x97: {  	_ =	strace s6  }
0x98: {  	s6 =	sld [smem:$0x3FFD];
	_ =	sdelay $0x3  }
0x99: {  	_ =	strace s6  }
0x9a: {  	_ =	strace $0x8FFFFFFF  }
0x9b: {  	s19 =	sld [smem:$0x3FDB];
	_ =	sdelay $0x1  }
0x9c: {  	s7 =	simm.s32 $_scs_section_size  }
0x9d: {  	s8 =	simm.s32 $_size__tile_overlayer_lowered;
	s9 =	simm.s32 $_tile_overlayer_lowered  }
0x9e: {  	s22 =	simm.s32 $0x1BFF;
	s21 =	sshll.u32 s9, $0x1;
	s6 =	sadd.s32 s7, s19  }
0x9f: {  	s10 =	simm.s32 $0x0;
	s20 =	sshll.u32 s8, $0x1;
	s8 =	sadd.s32 s21, s6  }
0xa0: {  	[timem:s10], [sflag:s22] =	dma.local [hbm:s8], s20  }
0xa1: {  	_ =	swait.ge [sflag:s22], s20  }
0xa2: {  	s7 =	ssub.s32 $0x0, s20;
	[sflag:s22] =	ssyncset.done $0x0  }
0xa3: {  	[sflag:s22] =	ssyncadd.s32 s7;
	_ =	sdelay $0x1  }
0xa4: {  	s23 =	simm.s32 $0x1B8B  }
0xa5: {  	_ =	swait.ge [sflag:s23], $0x1  }
0xa6: {  	[sflag:s23] =	ssyncset.done $0x0  }
0xa7: {  	s25 =	simm.s32 $0x1B8E;
	s24 =	sld [smem:$0x3FFE];
	[sflag:s23] =	ssyncadd.s32 $0xFFFFFFFF  }
0xa8: {  	s26 =	simm.s32 $execute0_lowered;
	[smem:$0x3FD2] =	sst s25  }
0xa9: {  	s8 =	sshll.u32 s26, $0x1;
	_ =	strace $0x80000046;
	[dreg:$0x1] =	wrdreg $0xFFFFFFFF  }
0xaa: {  	s28 =	simm.s32 $_size_execute0_lowered;
	s6 =	sadd.s32 s6, s8;
	[dreg:$0x0] =	wrdreg $0x0  }
0xab: {  	s8 =	sshll.u32 s28, $0x1;
	[dreg:$0x2] =	wrdreg s6  }
0xac: {  	[dreg:$0x3] =	wrdreg s8  }
0xad: {  	[dreg:$0x4] =	wrdreg $0xC0  }
0xae: {  	_ =	task [dreg:s10], $0x5FFFF  }
0xaf: {  	[dreg:$0x1] =	wrdreg $0xFFFFFFFF  }
0xb0: {  	[dreg:$0x0] =	wrdreg $0x60  }
0xb1: {  	[dreg:$0x2] =	wrdreg s4  }
0xb2: {  	[dreg:$0x3] =	wrdreg s5  }
0xb3: {  	[dreg:$0x4] =	wrdreg s2  }
0xb4: {  	[dreg:$0x5] =	wrdreg s18  }
0xb5: {  	[dreg:$0x6] =	wrdreg s24  }
0xb6: {  	[dreg:$0x7] =	wrdreg $0x9  }
0xb7: {  	_ =	task.clear_ibuf [dreg:s10], $0x8FFFF;
	_ =	strace $0x90000046  }
0xb8: {  	s29 =	simm.s32 $0x9;
	_ =	strace $0x80000048  }
0xb9: {  	_ =	swait.ge [sflag:s29], $0x1  }
0xba: {  	[sflag:s29] =	ssyncadd.s32 $0xFFFFFFFF  }
0xbb: {  	_ =	strace $0x90000048  }
0xbc: {  	_ =	sfence  }
0xbd: {  	s30 =	sld [smem:$0x0];
	_ =	sdelay $0x2  }
0xbe: {  	s31 =	sshll.u32 s1, $0xD;
	s1 =	sshrl.u32 s1, $0x2  }
0xbf: {  	s3 =	sand.u32 $0x4000, s31;
	s1 =	sadd.s32 s1, s30  }
0xc0: {  	s0 =	sor.u32 s3, s0;
	s1 =	sshll.u32 s1, $0x11  }
0xc1: {  	s0 =	sor.u32 s1, s0  }
0xc2: {  	s0 =	sadd.s32 $0x8F2B, s0  }
0xc3: {  	[sflag:s0] =	ssyncadd.remote.s32 $0x1  }
0xc4: {  	_ =	sfence.sel $0xFFFF  }
0xc5: {  	[dreg:$0x0] =	wrdreg $0xFFFFFFFF;
	(pc) =	sbr.abs _section_cstart, $3  }
0xc6: {  	[dreg:$0x1] =	wrdreg $0xFFFFFFFF  }
0xc7: {  	_ =	task.clear_ibuf [dreg:s10], $0x2FFFF;
	_ =	strace $0x9FFFFFFF  }
0xc8: {  	(tm) =	ssettm $0x7FFFFFFF  }
0xc9: {  	_ =	shalt  }
tec
execute0_lowered:
.L_overlay_start_1:
0x0: {  	(tag) =	ssettag $0x1  }
0x1: {  	s1 =	rddreg [dreg:$0x0]  }
0x2: {  	s3 =	rddreg [dreg:$0x1];
	s4 =	srdreg.scid  }
0x3: {  	s5 =	rddreg [dreg:$0x2];
	s0 =	stileid.u32;
	s31 =	sand.u32 $0x1, s4  }
0x4: {  	s6 =	rddreg [dreg:$0x3];
	s7 =	sshll.u32 s0, $0x7;
	s8 =	sshll.u32 s31, $0x6  }
0x5: {  	s26 =	rddreg [dreg:$0x4];
	s4 =	simm.s32 $0x0;
	s7 =	sor.u32 s8, s7  }
0x6: {  	[smem:$0x7FF] =	sst s4;
	s5 =	sadd.s32 s5, s7  }
0x7: {  	_ =	strace $0x80000047;
	[dreg:$0x6] =	wrdreg s5  }
0x8: {  	s5 =	simm.s32 $0x3;
	s25 =	rddreg [dreg:$0x6]  }
0x9: {  	[tilespmem:s4], [sflag:$0x3] =	stream.linear.gather [hbm4b:s25+s4], $0x200, $0x38;
	[tilespmem:$0x18400] =	vst v63  }
0xa: {  	_ =	swait.ge [sflag:s5], $0x200  }
0xb: {  	[sflag:s5] =	ssyncset.done $0x0  }
0xc: {  	s6 =	sadd.s32 s6, s7;
	s7 =	simm.s32 $0x200;
	[sflag:s5] =	ssyncadd.s32 $0xFFFFFE00  }
0xd: {  	[tilespmem:s7], [sflag:$0x3] =	stream.linear.gather [hbm4b:s6+s4], $0x200, $0x38;
	[tilespmem:$0x18400] =	vst v63  }
0xe: {  	_ =	swait.ge [sflag:s5], $0x200  }
0xf: {  	[sflag:s5] =	ssyncset.done $0x0  }
0x10: {  	s9 =	simm.s32 $0x400;
	s8 =	simm.s32 $0x80;
	[sflag:s5] =	ssyncadd.s32 $0xFFFFFE00  }
0x11: {  	[tilespmem:s9], [sflag:$0x1] =	stream.indirect.gather [hbm4b:s1+s8], $0x80, s4, s8, $0xb8;
	[tilespmem:$0x18400] =	vst v63  }
0x12: {  	s10 =	simm.s32 $0x4400  }
0x13: {  	[tilespmem:s10], [sflag:$0x1] =	stream.indirect.gather [hbm4b:s1+s8], $0x80, s8, s8, $0xb8;
	[tilespmem:$0x18400] =	vst v63  }
0x14: {  	s11 =	simm.s32 $0x100;
	s12 =	simm.s32 $0x8400  }
0x15: {  	[tilespmem:s12], [sflag:$0x1] =	stream.indirect.gather [hbm4b:s1+s8], $0x80, s11, s8, $0xb8;
	[tilespmem:$0x18400] =	vst v63  }
0x16: {  	s13 =	simm.s32 $0x180;
	s14 =	simm.s32 $0xC400;
	s15 =	simm.s32 $0x1  }
0x17: {  	[tilespmem:s14], [sflag:$0x1] =	stream.indirect.gather [hbm4b:s1+s8], $0x80, s13, s8, $0xb8;
	[tilespmem:$0x18400] =	vst v63  }
0x18: {  	s16 =	sshll.u32 s0, $0xE;
	s17 =	sshll.u32 s31, $0xD;
	_ =	swait.ge [sflag:s15], $0x4000  }
0x19: {  	s24 =	sadd.s32 $0x4400, s26;
	s28 =	sor.u32 s17, s16;
	[sflag:s15] =	ssyncset.done $0x0  }
0x1a: {  	s16 =	sadd.s32 s24, s28;
	[sflag:s15] =	ssyncadd.s32 $0xFFFFC000  }
0x1b: {  	[hbm4b:s16+s4] =	stream.linear.scatter [tilespmem:s9], [sflag:$0x2], $0x4000, $0x38;
	[tilespmem:$0x18400] =	vst v63  }
0x1c: {  	s17 =	simm.s32 $0x10400  }
0x1d: {  	[tilespmem:s17], [sflag:$0x1] =	stream.indirect.gather [hbm4b:s3+s8], $0x80, s7, s8, $0xb8;
	[tilespmem:$0x18400] =	vst v63  }
0x1e: {  	_ =	swait.ge [sflag:s15], $0x4000  }
0x1f: {  	s29 =	sor.u32 $0x800, s28;
	[sflag:s15] =	ssyncset.done $0x0  }
0x20: {  	s18 =	sadd.s32 s24, s29;
	[sflag:s15] =	ssyncadd.s32 $0xFFFFC000  }
0x21: {  	[hbm4b:s18+s4] =	stream.linear.scatter [tilespmem:s10], [sflag:$0x2], $0x4000, $0x38;
	[tilespmem:$0x18400] =	vst v63  }
0x22: {  	s19 =	simm.s32 $0x280;
	s20 =	simm.s32 $0x14400  }
0x23: {  	[tilespmem:s20], [sflag:$0x1] =	stream.indirect.gather [hbm4b:s3+s8], $0x80, s19, s8, $0xb8;
	[tilespmem:$0x18400] =	vst v63  }
0x24: {  	_ =	swait.ge [sflag:s15], $0x4000  }
0x25: {  	s30 =	sor.u32 $0x1000, s28;
	[sflag:s15] =	ssyncset.done $0x0  }
0x26: {  	s21 =	simm.s32 $0x2;
	s22 =	sadd.s32 s24, s30;
	[sflag:s15] =	ssyncadd.s32 $0xFFFFC000  }
0x27: {  	[hbm4b:s22+s4] =	stream.linear.scatter [tilespmem:s12], [sflag:$0x2], $0x4000, $0x38;
	[tilespmem:$0x18400] =	vst v63  }
0x28: {  	_ =	swait.ge [sflag:s21], $0x4000  }
0x29: {  	[sflag:s21] =	ssyncset.done $0x0  }
0x2a: {  	s23 =	simm.s32 $0x300;
	[sflag:s21] =	ssyncadd.s32 $0xFFFFC000  }
0x2b: {  	[tilespmem:s9], [sflag:$0x1] =	stream.indirect.gather [hbm4b:s3+s8], $0x80, s23, s8, $0xb8;
	[tilespmem:$0x18400] =	vst v63  }
0x2c: {  	_ =	swait.ge [sflag:s15], $0x4000  }
0x2d: {  	s0 =	sor.u32 $0x1800, s28;
	[sflag:s15] =	ssyncset.done $0x0  }
0x2e: {  	s24 =	sadd.s32 s24, s0;
	[sflag:s15] =	ssyncadd.s32 $0xFFFFC000  }
0x2f: {  	[hbm4b:s24+s4] =	stream.linear.scatter [tilespmem:s14], [sflag:$0x2], $0x4000, $0x38;
	[tilespmem:$0x18400] =	vst v63  }
0x30: {  	_ =	swait.ge [sflag:s21], $0x4000  }
0x31: {  	[sflag:s21] =	ssyncset.done $0x0  }
0x32: {  	s25 =	simm.s32 $0x380;
	[sflag:s21] =	ssyncadd.s32 $0xFFFFC000  }
0x33: {  	[tilespmem:s10], [sflag:$0x1] =	stream.indirect.gather [hbm4b:s3+s8], $0x80, s25, s8, $0xb8;
	[tilespmem:$0x18400] =	vst v63  }
0x34: {  	_ =	swait.ge [sflag:s15], $0x4000  }
0x35: {  	s2 =	sadd.s32 $0x44400, s26;
	[sflag:s15] =	ssyncset.done $0x0  }
0x36: {  	s26 =	sadd.s32 s2, s28;
	[sflag:s15] =	ssyncadd.s32 $0xFFFFC000  }
0x37: {  	[hbm4b:s26+s4] =	stream.linear.scatter [tilespmem:s17], [sflag:$0x2], $0x4000, $0x38;
	[tilespmem:$0x18400] =	vst v63  }
0x38: {  	_ =	swait.ge [sflag:s15], $0x4000  }
0x39: {  	[sflag:s15] =	ssyncset.done $0x0  }
0x3a: {  	s28 =	sadd.s32 s2, s29;
	[sflag:s15] =	ssyncadd.s32 $0xFFFFC000  }
0x3b: {  	[hbm4b:s28+s4] =	stream.linear.scatter [tilespmem:s20], [sflag:$0x2], $0x4000, $0x38;
	[tilespmem:$0x18400] =	vst v63  }
0x3c: {  	_ =	swait.ge [sflag:s15], $0x4000  }
0x3d: {  	[sflag:s15] =	ssyncset.done $0x0  }
0x3e: {  	s29 =	sadd.s32 s2, s30;
	[sflag:s15] =	ssyncadd.s32 $0xFFFFC000  }
0x3f: {  	[hbm4b:s29+s4] =	stream.linear.scatter [tilespmem:s9], [sflag:$0x2], $0x4000, $0x38;
	[tilespmem:$0x18400] =	vst v63  }
0x40: {  	_ =	swait.ge [sflag:s15], $0x4000  }
0x41: {  	[sflag:s15] =	ssyncset.done $0x0  }
0x42: {  	s30 =	sadd.s32 s2, s0;
	[sflag:s15] =	ssyncadd.s32 $0xFFFFC000  }
0x43: {  	[hbm4b:s30+s4] =	stream.linear.scatter [tilespmem:s10], [sflag:$0x2], $0x4000, $0x38;
	[tilespmem:$0x18400] =	vst v63  }
0x44: {  	_ =	swait.ge [sflag:s21], $0x4000  }
0x45: {  	[sflag:s21] =	ssyncset.done $0x0  }
0x46: {  	[sflag:s21] =	ssyncadd.s32 $0xFFFFC000  }
0x47: {  	_ =	swait.ge [sflag:s21], $0x4000  }
0x48: {  	[sflag:s21] =	ssyncset.done $0x0  }
0x49: {  	[sflag:s21] =	ssyncadd.s32 $0xFFFFC000  }
0x4a: {  	s0 =	ssub.s32 $0x2, s31;
	_ =	swait.ge [sflag:s21], $0x4000  }
0x4b: {  	s2 =	sshrl.u32 s0, $0x1;
	[sflag:s21] =	ssyncset.done $0x0  }
0x4c: {  	s0 =	ssub.s32 s0, s2;
	[sflag:s21] =	ssyncadd.s32 $0xFFFFC000  }
0x4d: {  	s0 =	smax.u32 s0, $0x1;
	_ =	swait.ge [sflag:s21], $0x4000  }
0x4e: {  	p0 =	sne.s32 s0, $0x1;
	[sflag:s21] =	ssyncset.done $0x0  }
.Ltmp0:
0x4f: {  	[sflag:s21] =	ssyncadd.s32 $0xFFFFC000;
	(pc) =	sbr.rel @!p0 .LBB2_2-.Ltmp0, $4  }
0x50: {  	_ =	swait.ge [sflag:s21], $0x4000  }
0x51: {  	[sflag:s21] =	ssyncset.done $0x0  }
0x52: {  	[sflag:s21] =	ssyncadd.s32 $0xFFFFC000  }
0x53: {  	s31 =	sadd.s32 $0xFFFFFFFF, s0;
	_ =	swait.ge [sflag:s21], $0x4000  }
.LBB2_1:
0x54: {  	[sflag:s21] =	ssyncset.done $0x0  }
0x55: {  	s0 =	rddreg [dreg:$0x6];
	[sflag:s21] =	ssyncadd.s32 $0xFFFFC000  }
0x56: {  	[tilespmem:s4], [sflag:$0x3] =	stream.linear.gather [hbm4b:s0+s4], $0x200, $0x38;
	[tilespmem:$0x18400] =	vst v63  }
0x57: {  	_ =	swait.ge [sflag:s5], $0x200  }
0x58: {  	[sflag:s5] =	ssyncset.done $0x0  }
0x59: {  	[sflag:s5] =	ssyncadd.s32 $0xFFFFFE00  }
0x5a: {  	[tilespmem:s7], [sflag:$0x3] =	stream.linear.gather [hbm4b:s6+s4], $0x200, $0x38;
	[tilespmem:$0x18400] =	vst v63  }
0x5b: {  	_ =	swait.ge [sflag:s5], $0x200  }
0x5c: {  	[sflag:s5] =	ssyncset.done $0x0  }
0x5d: {  	[sflag:s5] =	ssyncadd.s32 $0xFFFFFE00  }
0x5e: {  	[tilespmem:s9], [sflag:$0x1] =	stream.indirect.gather [hbm4b:s1+s8], $0x80, s4, s8, $0xb8;
	[tilespmem:$0x18400] =	vst v63  }
0x5f: {  	_ = 	snop  }
0x60: {  	[tilespmem:s10], [sflag:$0x1] =	stream.indirect.gather [hbm4b:s1+s8], $0x80, s8, s8, $0xb8;
	[tilespmem:$0x18400] =	vst v63  }
0x61: {  	_ = 	snop  }
0x62: {  	[tilespmem:s12], [sflag:$0x1] =	stream.indirect.gather [hbm4b:s1+s8], $0x80, s11, s8, $0xb8;
	[tilespmem:$0x18400] =	vst v63  }
0x63: {  	_ = 	snop  }
0x64: {  	[tilespmem:s14], [sflag:$0x1] =	stream.indirect.gather [hbm4b:s1+s8], $0x80, s13, s8, $0xb8;
	[tilespmem:$0x18400] =	vst v63  }
0x65: {  	_ =	swait.ge [sflag:s15], $0x4000  }
0x66: {  	[sflag:s15] =	ssyncset.done $0x0  }
0x67: {  	[sflag:s15] =	ssyncadd.s32 $0xFFFFC000  }
0x68: {  	[hbm4b:s16+s4] =	stream.linear.scatter [tilespmem:s9], [sflag:$0x2], $0x4000, $0x38;
	[tilespmem:$0x18400] =	vst v63  }
0x69: {  	_ = 	snop  }
0x6a: {  	[tilespmem:s17], [sflag:$0x1] =	stream.indirect.gather [hbm4b:s3+s8], $0x80, s7, s8, $0xb8;
	[tilespmem:$0x18400] =	vst v63  }
0x6b: {  	_ =	swait.ge [sflag:s15], $0x4000  }
0x6c: {  	[sflag:s15] =	ssyncset.done $0x0  }
0x6d: {  	[sflag:s15] =	ssyncadd.s32 $0xFFFFC000  }
0x6e: {  	[hbm4b:s18+s4] =	stream.linear.scatter [tilespmem:s10], [sflag:$0x2], $0x4000, $0x38;
	[tilespmem:$0x18400] =	vst v63  }
0x6f: {  	_ = 	snop  }
0x70: {  	[tilespmem:s20], [sflag:$0x1] =	stream.indirect.gather [hbm4b:s3+s8], $0x80, s19, s8, $0xb8;
	[tilespmem:$0x18400] =	vst v63  }
0x71: {  	_ =	swait.ge [sflag:s15], $0x4000  }
0x72: {  	[sflag:s15] =	ssyncset.done $0x0  }
0x73: {  	[sflag:s15] =	ssyncadd.s32 $0xFFFFC000  }
0x74: {  	[hbm4b:s22+s4] =	stream.linear.scatter [tilespmem:s12], [sflag:$0x2], $0x4000, $0x38;
	[tilespmem:$0x18400] =	vst v63  }
0x75: {  	_ =	swait.ge [sflag:s21], $0x4000  }
0x76: {  	[sflag:s21] =	ssyncset.done $0x0  }
0x77: {  	[sflag:s21] =	ssyncadd.s32 $0xFFFFC000  }
0x78: {  	[tilespmem:s9], [sflag:$0x1] =	stream.indirect.gather [hbm4b:s3+s8], $0x80, s23, s8, $0xb8;
	[tilespmem:$0x18400] =	vst v63  }
0x79: {  	_ =	swait.ge [sflag:s15], $0x4000  }
0x7a: {  	[sflag:s15] =	ssyncset.done $0x0  }
0x7b: {  	[sflag:s15] =	ssyncadd.s32 $0xFFFFC000  }
0x7c: {  	[hbm4b:s24+s4] =	stream.linear.scatter [tilespmem:s14], [sflag:$0x2], $0x4000, $0x38;
	[tilespmem:$0x18400] =	vst v63  }
0x7d: {  	_ =	swait.ge [sflag:s21], $0x4000  }
0x7e: {  	[sflag:s21] =	ssyncset.done $0x0  }
0x7f: {  	[sflag:s21] =	ssyncadd.s32 $0xFFFFC000  }
0x80: {  	[tilespmem:s10], [sflag:$0x1] =	stream.indirect.gather [hbm4b:s3+s8], $0x80, s25, s8, $0xb8;
	[tilespmem:$0x18400] =	vst v63  }
0x81: {  	_ =	swait.ge [sflag:s15], $0x4000  }
0x82: {  	[sflag:s15] =	ssyncset.done $0x0  }
0x83: {  	[sflag:s15] =	ssyncadd.s32 $0xFFFFC000  }
0x84: {  	[hbm4b:s26+s4] =	stream.linear.scatter [tilespmem:s17], [sflag:$0x2], $0x4000, $0x38;
	[tilespmem:$0x18400] =	vst v63  }
0x85: {  	_ =	swait.ge [sflag:s15], $0x4000  }
0x86: {  	[sflag:s15] =	ssyncset.done $0x0  }
0x87: {  	[sflag:s15] =	ssyncadd.s32 $0xFFFFC000  }
0x88: {  	[hbm4b:s28+s4] =	stream.linear.scatter [tilespmem:s20], [sflag:$0x2], $0x4000, $0x38;
	[tilespmem:$0x18400] =	vst v63  }
0x89: {  	_ =	swait.ge [sflag:s15], $0x4000  }
0x8a: {  	[sflag:s15] =	ssyncset.done $0x0  }
0x8b: {  	[sflag:s15] =	ssyncadd.s32 $0xFFFFC000  }
0x8c: {  	[hbm4b:s29+s4] =	stream.linear.scatter [tilespmem:s9], [sflag:$0x2], $0x4000, $0x38;
	[tilespmem:$0x18400] =	vst v63  }
0x8d: {  	_ =	swait.ge [sflag:s15], $0x4000  }
0x8e: {  	[sflag:s15] =	ssyncset.done $0x0  }
0x8f: {  	[sflag:s15] =	ssyncadd.s32 $0xFFFFC000  }
0x90: {  	[hbm4b:s30+s4] =	stream.linear.scatter [tilespmem:s10], [sflag:$0x2], $0x4000, $0x38;
	[tilespmem:$0x18400] =	vst v63  }
0x91: {  	_ =	swait.ge [sflag:s21], $0x4000  }
0x92: {  	[sflag:s21] =	ssyncset.done $0x0  }
0x93: {  	[sflag:s21] =	ssyncadd.s32 $0xFFFFC000  }
0x94: {  	_ =	swait.ge [sflag:s21], $0x4000  }
0x95: {  	[sflag:s21] =	ssyncset.done $0x0  }
0x96: {  	[sflag:s21] =	ssyncadd.s32 $0xFFFFC000  }
0x97: {  	_ =	swait.ge [sflag:s21], $0x4000  }
0x98: {  	[sflag:s21] =	ssyncset.done $0x0  }
0x99: {  	[sflag:s21] =	ssyncadd.s32 $0xFFFFC000  }
0x9a: {  	_ =	swait.ge [sflag:s21], $0x4000  }
0x9b: {  	p0 =	sne.s32 s31, $0x1;
	[sflag:s21] =	ssyncset.done $0x0  }
.Ltmp1:
0x9c: {  	[sflag:s21] =	ssyncadd.s32 $0xFFFFC000;
	(pc) =	sbr.rel @p0 .LBB2_1-.Ltmp1, $4  }
0x9d: {  	_ =	swait.ge [sflag:s21], $0x4000  }
0x9e: {  	[sflag:s21] =	ssyncset.done $0x0  }
0x9f: {  	[sflag:s21] =	ssyncadd.s32 $0xFFFFC000  }
0xa0: {  	s31 =	sadd.s32 $0xFFFFFFFF, s31;
	_ =	swait.ge [sflag:s21], $0x4000  }
.LBB2_2:
0xa1: {  	[sflag:s21] =	ssyncset.done $0x0  }
0xa2: {  	[sflag:s21] =	ssyncadd.s32 $0xFFFFC000  }
0xa3: {  	_ =	sfence.sel $0x180000  }
0xa4: {  	[bflag:$0x0] =	sbarrier.arrive $0xFFFF  }
0xa5: {  	_ =	strace $0x90000047  }
0xa6: {  	s0 =	stileid.u32;
	[bflag:$0x2] =	sbarrier.arrive $0xFFFF  }
0xa7: {  	p0 =	sne.s32 s0, $0x0;
	s0 =	rddreg [dreg:$0x5]  }
0xa8: {  	s0 =	sadd.s32 @!p0 $0x100000, s0  }
0xa9: {  	[sflag:s0] =	ssyncadd.tile.s32 @!p0 $0x1;
	_ =	shalt  }
.Lfunc_end2:
_tile_overlayer_lowered:
.L_overlay_start_2:
0xaa: {  	(tag) =	ssettag $0x2  }
0xab: {  	s0 =	rddreg [dreg:$0x0];
	s2 =	stileid.u32  }
0xac: {  	s1 =	rddreg [dreg:$0x1];
	p0 =	sne.s32 s2, $0x0  }
0xad: {  	s3 =	rddreg [dreg:$0x2];
	[bflag:$0x3] =	sbarrier.arrive $0xFFFF;
	s2 =	simm.s32 @!p0 $0x1C03  }
0xae: {  	[timem:s3], [sflag:s2] =	dma.local @!p0 [hbm:s0], s1  }
0xaf: {  	s0 =	simm.s32 @!p0 $0x3  }
0xb0: {  	_ =	swait.ge @!p0 [sflag:s0], s1  }
0xb1: {  	s1 =	ssub.s32 @!p0 $0x0, s1;
	[sflag:s0] =	ssyncset.done @!p0 $0x0  }
0xb2: {  	[sflag:s0] =	ssyncadd.s32 @!p0 s1  }
0xb3: {  	[bflag:$0x3] =	sbarrier.arrive $0xFFFF  }
0xb4: {  	_ =	shalt  }

</sc_bundles>
